<compile_context>
chip_gen: v7x
topology: tpu7x:2x2x1
jax: 0.10.2.dev20260603
libtpu: 0.0.44.dev20260713+nightly
codegen_flags: <defaults>
</compile_context>

<pallas_src>
import functools

import jax
import jax.numpy as jnp
from jax import lax
from jax.experimental import pallas as pl
from jax.experimental.pallas import tpu as pltpu
from jax.experimental.pallas import tpu_sc as plsc

NUM_CLASS = 19
NBINS = NUM_CLASS * NUM_CLASS
BINS_PAD = 368
LANES = 16

N_TOTAL = 16 * 512 * 512
NC = 2
NS = 16
NW = NC * NS
IMG_H = 512
IMG_W = 512
ROWS_PER_W = 256
ROWS_PER_CHUNK = 32
CHUNK = ROWS_PER_CHUNK * IMG_W
N_CHUNKS = ROWS_PER_W // ROWS_PER_CHUNK
VECS_PER_CHUNK = CHUNK // LANES
VECS_PER_ROW = IMG_W // LANES


def _sc_body(gt_hbm, pre_hbm, out_hbm, gt_buf, pre_buf, hist, hist1d,
             sem_g, sem_p):
  wid = lax.axis_index("s") * NC + lax.axis_index("c")
  img = wid // 2
  row_base = (wid % 2) * ROWS_PER_W

  lane = jnp.arange(LANES, dtype=jnp.int32)
  ones = jnp.ones((LANES,), jnp.float32)
  zeros = jnp.zeros((LANES,), jnp.float32)

  def issue(c, b):
    r0 = row_base + c * ROWS_PER_CHUNK
    dst = pl.ds(b * ROWS_PER_CHUNK, ROWS_PER_CHUNK)
    pltpu.async_copy(gt_hbm.at[img, pl.ds(r0, ROWS_PER_CHUNK), :],
                     gt_buf.at[dst, :], sem_g.at[b])
    pltpu.async_copy(pre_hbm.at[img, pl.ds(r0, ROWS_PER_CHUNK), :],
                     pre_buf.at[dst, :], sem_p.at[b])

  issue(0, 0)

  @plsc.parallel_loop(0, (LANES * BINS_PAD) // LANES, unroll=8)
  def zero_body(k):
    hist[pl.ds(k * LANES, LANES)] = zeros

  def chunk_body(c, _):
    b = c % 2
    boff = b * ROWS_PER_CHUNK

    @pl.when(c + 1 < N_CHUNKS)
    def _():
      issue(c + 1, 1 - b)

    dst = pl.ds(boff, ROWS_PER_CHUNK)
    pltpu.make_async_copy(gt_hbm.at[img, pl.ds(row_base, ROWS_PER_CHUNK), :],
                          gt_buf.at[dst, :], sem_g.at[b]).wait()
    pltpu.make_async_copy(pre_hbm.at[img, pl.ds(row_base, ROWS_PER_CHUNK), :],
                          pre_buf.at[dst, :], sem_p.at[b]).wait()

    @plsc.parallel_loop(0, VECS_PER_CHUNK, unroll=16,
                        carry=NBINS * LANES + lane)
    def vec_body(i, idx_prev):
      rr = boff + (i // VECS_PER_ROW)
      cc = (i % VECS_PER_ROW) * LANES
      g = gt_buf[rr, pl.ds(cc, LANES)]
      p = pre_buf[rr, pl.ds(cc, LANES)]
      plsc.addupdate_scatter(hist, [idx_prev], ones)
      return (g * NUM_CLASS + p) * LANES + lane
    plsc.addupdate_scatter(hist, [vec_body], ones)
    return 0
  lax.fori_loop(0, N_CHUNKS, chunk_body, 0)

  @plsc.parallel_loop(0, BINS_PAD, unroll=8)
  def scan_body(bb):
    v = hist[pl.ds(bb * LANES, LANES)]
    hist[pl.ds(bb * LANES, LANES)] = plsc.cumsum(v)

  @plsc.parallel_loop(0, BINS_PAD // LANES, unroll=4)
  def col_body(cc):
    idx = (cc * LANES + lane) * LANES + (LANES - 1)
    hist1d[pl.ds(cc * LANES, LANES)] = plsc.load_gather(hist, [idx])

  pltpu.sync_copy(hist1d, out_hbm.at[wid])


@jax.jit
def _confusion(gt_img, pre_img):
  mesh = plsc.VectorSubcoreMesh(core_axis_name="c", subcore_axis_name="s")
  partials = pl.kernel(
      _sc_body,
      out_type=jax.ShapeDtypeStruct((NW, BINS_PAD), jnp.float32),
      mesh=mesh,
      compiler_params=pltpu.CompilerParams(needs_layout_passes=False),
      scratch_types=[
          pltpu.VMEM((2 * ROWS_PER_CHUNK, IMG_W), jnp.int32),
          pltpu.VMEM((2 * ROWS_PER_CHUNK, IMG_W), jnp.int32),
          pltpu.VMEM((LANES * BINS_PAD,), jnp.float32),
          pltpu.VMEM((BINS_PAD,), jnp.float32),
          pltpu.SemaphoreType.DMA((2,)),
          pltpu.SemaphoreType.DMA((2,)),
      ],
  )(gt_img, pre_img)
  return partials.sum(axis=0)[:NBINS].reshape(NUM_CLASS, NUM_CLASS)


def kernel(gt_image, pre_image):
  return _confusion(gt_image, pre_image)

# --- scband reference (transcript-rebuilt; emitter-appended) ---
"""Pipeline reference for scband-evaluator-48850958025167 (READ-ONLY COPY).

The authoritative reference and input builder live on the scoring server;
editing this copy changes nothing except your own understanding.
"""

import jax, jax.numpy as jnp
import numpy as np

NUM_CLASS = 19

def setup_inputs(seed: int = 0) -> dict:
    key = jax.random.key(seed)
    k1, k2 = jax.random.split(key)
    gt_image = jax.random.randint(k1, (16, 512, 512), 0, NUM_CLASS, dtype=jnp.int32)
    pre_image = jax.random.randint(k2, (16, 512, 512), 0, NUM_CLASS, dtype=jnp.int32)
    return {"gt_image": gt_image, "pre_image": pre_image}

def reference(gt_image, pre_image):
    # Evaluator.add_batch -> _generate_matrix, starting from a zero confusion matrix.
    num_class = NUM_CLASS
    mask = (gt_image >= 0) & (gt_image < num_class)
    label = num_class * gt_image + pre_image
    label = jnp.where(mask, label, 0).ravel()
    weights = mask.astype(jnp.float32).ravel()
    count = jnp.bincount(label, weights=weights,
                         minlength=num_class ** 2, length=num_class ** 2)
    confusion_matrix = count.reshape(num_class, num_class).astype(jnp.float32)
    # self.confusion_matrix (zeros) += generated matrix
    return jnp.zeros((num_class, num_class), dtype=jnp.float32) + confusion_matrix

if __name__ == "__main__":
    import jax
    _d = setup_inputs()
    print(jax.jit(kernel)(*tuple(_d.values())))

</pallas_src>

<mosaic_0001>
#map = affine_map<(d0, d1) -> (0, 0, 0)>
#map1 = affine_map<(d0, d1) -> (0, 0)>
module attributes {stable_mosaic.version = 14 : i64} {
  func.func @_sc_body(%arg0: i32, %arg1: i32, %arg2: memref<16x512x512xi32, #tpu.memory_space<hbm>>, %arg3: memref<16x512x512xi32, #tpu.memory_space<hbm>>, %arg4: memref<32x368xf32, #tpu.memory_space<hbm>>, %arg5: memref<64x512xi32, #tpu.memory_space<vmem>>, %arg6: memref<64x512xi32, #tpu.memory_space<vmem>>, %arg7: memref<5888xf32, #tpu.memory_space<vmem>>, %arg8: memref<368xf32, #tpu.memory_space<vmem>>, %arg9: memref<2x!tpu.dma_semaphore, #tpu.memory_space<semaphore_mem>>, %arg10: memref<2x!tpu.dma_semaphore, #tpu.memory_space<semaphore_mem>>) attributes {dimension_semantics = [#tpu.dimension_semantics<core_parallel>, #tpu.dimension_semantics<subcore_parallel>], iteration_bounds = array<i64: 2, 16>, scalar_prefetch = 0 : i64, scratch_operands = 6 : i64, tpu.core_type = #tpu.core_type<sc_vector_subcore>, window_params = [{transform_indices = #map}, {transform_indices = #map}, {transform_indices = #map1}]} {
    %mul3A = arith.constant 2 : i32
    %mul3A_0 = arith.muli %arg1, %mul3A : i32
    %add3A = arith.addi %mul3A_0, %arg0 : i32
    %jit3A = arith.constant 2 : i32
    %div3A = arith.divsi %add3A, %jit3A : i32
    %sign3A = arith.constant 0 : i32
    %sign3A_1 = arith.cmpi sgt, %add3A, %sign3A : i32
    %sign3A_2 = arith.extui %sign3A_1 : i1 to i32
    %sign3A_3 = arith.constant 0 : i32
    %sign3A_4 = arith.cmpi slt, %add3A, %sign3A_3 : i32
    %sign3A_5 = arith.extui %sign3A_4 : i1 to i32
    %sign3A_6 = arith.subi %sign3A_2, %sign3A_5 : i32
    %sign3A_7 = arith.constant 0 : i32
    %sign3A_8 = arith.cmpi sgt, %jit3A, %sign3A_7 : i32
    %sign3A_9 = arith.extui %sign3A_8 : i1 to i32
    %sign3A_10 = arith.constant 0 : i32
    %sign3A_11 = arith.cmpi slt, %jit3A, %sign3A_10 : i32
    %sign3A_12 = arith.extui %sign3A_11 : i1 to i32
    %sign3A_13 = arith.subi %sign3A_9, %sign3A_12 : i32
    %ne3A = arith.cmpi ne, %sign3A_6, %sign3A_13 : i32
    %rem3A = arith.remsi %add3A, %jit3A : i32
    %ne3A_14 = arith.constant 0 : i32
    %ne3A_15 = arith.cmpi ne, %rem3A, %ne3A_14 : i32
    %and3A = arith.andi %ne3A, %ne3A_15 : i1
    %sub3A = arith.constant 1 : i32
    %sub3A_16 = arith.subi %div3A, %sub3A : i32
    %select_n3A = arith.select %and3A, %sub3A_16, %div3A : i32
    %jit3A_17 = arith.constant 2 : i32
    %eq3A = arith.constant 0 : i32
    %eq3A_18 = arith.cmpi eq, %jit3A_17, %eq3A : i32
    %jit3A_19 = arith.constant 1 : i32
    %select_n3A_20 = arith.select %eq3A_18, %jit3A_19, %jit3A_17 : i32
    %rem3A_21 = arith.remsi %add3A, %select_n3A_20 : i32
    %ne3A_22 = arith.constant 0 : i32
    %ne3A_23 = arith.cmpi ne, %rem3A_21, %ne3A_22 : i32
    %lt3A = arith.constant 0 : i32
    %lt3A_24 = arith.cmpi slt, %rem3A_21, %lt3A : i32
    %lt3A_25 = arith.constant 0 : i32
    %lt3A_26 = arith.cmpi slt, %select_n3A_20, %lt3A_25 : i32
    %ne3A_27 = arith.xori %lt3A_24, %lt3A_26 : i1
    %and3A_28 = arith.andi %ne3A_27, %ne3A_23 : i1
    %add3A_29 = arith.addi %rem3A_21, %select_n3A_20 : i32
    %select_n3A_30 = arith.select %and3A_28, %add3A_29, %rem3A_21 : i32
    %mul3A_31 = arith.constant 256 : i32
    %mul3A_32 = arith.muli %select_n3A_30, %mul3A_31 : i32
    %iota3A = tpu.iota {dimensions = array<i32: 0>} : vector<16xi32>
    %broadcast_in_dim3A = arith.constant 1.000000e+00 : f32
    %broadcast_in_dim3A_33 = vector.broadcast %broadcast_in_dim3A : f32 to vector<16xf32>
    %broadcast_in_dim3A_34 = arith.constant 0.000000e+00 : f32
    %broadcast_in_dim3A_35 = vector.broadcast %broadcast_in_dim3A_34 : f32 to vector<16xf32>
    %add3A_36 = arith.constant 0 : i32
    %add3A_37 = arith.addi %mul3A_32, %add3A_36 : i32
    %dma_start3A = arith.constant 0 : i32
    %dma_start3A_38 = arith.constant 0 : i32
    %dma_start3A_39 = arith.constant 0 : i32
    %dma_start3A_40 = tpu.memref_slice %arg5[%dma_start3A_38, %dma_start3A_39] : memref<64x512xi32, #tpu.memory_space<vmem>> -> memref<32x512xi32, #tpu.memory_space<vmem>>
    %dma_start3A_41 = arith.constant 0 : i32
    %dma_start3A_42 = tpu.memref_slice %arg2[%select_n3A, %add3A_37, %dma_start3A_41] : memref<16x512x512xi32, #tpu.memory_space<hbm>> -> memref<1x32x512xi32, #tpu.memory_space<hbm>>
    %dma_start3A_43 = tpu.memref_squeeze %dma_start3A_42 : memref<1x32x512xi32, #tpu.memory_space<hbm>> -> memref<32x512xi32, #tpu.memory_space<hbm>>
    %dma_start3A_44 = tpu.memref_slice %arg9[%dma_start3A] : memref<2x!tpu.dma_semaphore, #tpu.memory_space<semaphore_mem>> -> memref<1x!tpu.dma_semaphore, #tpu.memory_space<semaphore_mem>>
    %dma_start3A_45 = tpu.memref_squeeze %dma_start3A_44 : memref<1x!tpu.dma_semaphore, #tpu.memory_space<semaphore_mem>> -> memref<!tpu.dma_semaphore, #tpu.memory_space<semaphore_mem>>
    %dma_start3A_46 = arith.constant 0 : i32
    %dma_start3A_47 = arith.constant 0 : i32
    %dma_start3A_48 = tpu.memref_slice %arg5[%dma_start3A_46, %dma_start3A_47] : memref<64x512xi32, #tpu.memory_space<vmem>> -> memref<32x512xi32, #tpu.memory_space<vmem>>
    %dma_start3A_49 = arith.constant 0 : i32
    %dma_start3A_50 = tpu.memref_slice %arg2[%select_n3A, %add3A_37, %dma_start3A_49] : memref<16x512x512xi32, #tpu.memory_space<hbm>> -> memref<1x32x512xi32, #tpu.memory_space<hbm>>
    %dma_start3A_51 = tpu.memref_squeeze %dma_start3A_50 : memref<1x32x512xi32, #tpu.memory_space<hbm>> -> memref<32x512xi32, #tpu.memory_space<hbm>>
    tpu.enqueue_dma source(%dma_start3A_51 : memref<32x512xi32, #tpu.memory_space<hbm>>) target(%dma_start3A_48 : memref<32x512xi32, #tpu.memory_space<vmem>>) target_semaphore(%dma_start3A_45 : memref<!tpu.dma_semaphore, #tpu.memory_space<semaphore_mem>>)
    %dma_start3A_52 = arith.constant 0 : i32
    %dma_start3A_53 = arith.constant 0 : i32
    %dma_start3A_54 = arith.constant 0 : i32
    %dma_start3A_55 = tpu.memref_slice %arg6[%dma_start3A_53, %dma_start3A_54] : memref<64x512xi32, #tpu.memory_space<vmem>> -> memref<32x512xi32, #tpu.memory_space<vmem>>
    %dma_start3A_56 = arith.constant 0 : i32
    %dma_start3A_57 = tpu.memref_slice %arg3[%select_n3A, %add3A_37, %dma_start3A_56] : memref<16x512x512xi32, #tpu.memory_space<hbm>> -> memref<1x32x512xi32, #tpu.memory_space<hbm>>
    %dma_start3A_58 = tpu.memref_squeeze %dma_start3A_57 : memref<1x32x512xi32, #tpu.memory_space<hbm>> -> memref<32x512xi32, #tpu.memory_space<hbm>>
    %dma_start3A_59 = tpu.memref_slice %arg10[%dma_start3A_52] : memref<2x!tpu.dma_semaphore, #tpu.memory_space<semaphore_mem>> -> memref<1x!tpu.dma_semaphore, #tpu.memory_space<semaphore_mem>>
    %dma_start3A_60 = tpu.memref_squeeze %dma_start3A_59 : memref<1x!tpu.dma_semaphore, #tpu.memory_space<semaphore_mem>> -> memref<!tpu.dma_semaphore, #tpu.memory_space<semaphore_mem>>
    %dma_start3A_61 = arith.constant 0 : i32
    %dma_start3A_62 = arith.constant 0 : i32
    %dma_start3A_63 = tpu.memref_slice %arg6[%dma_start3A_61, %dma_start3A_62] : memref<64x512xi32, #tpu.memory_space<vmem>> -> memref<32x512xi32, #tpu.memory_space<vmem>>
    %dma_start3A_64 = arith.constant 0 : i32
    %dma_start3A_65 = tpu.memref_slice %arg3[%select_n3A, %add3A_37, %dma_start3A_64] : memref<16x512x512xi32, #tpu.memory_space<hbm>> -> memref<1x32x512xi32, #tpu.memory_space<hbm>>
    %dma_start3A_66 = tpu.memref_squeeze %dma_start3A_65 : memref<1x32x512xi32, #tpu.memory_space<hbm>> -> memref<32x512xi32, #tpu.memory_space<hbm>>
    tpu.enqueue_dma source(%dma_start3A_66 : memref<32x512xi32, #tpu.memory_space<hbm>>) target(%dma_start3A_63 : memref<32x512xi32, #tpu.memory_space<vmem>>) target_semaphore(%dma_start3A_60 : memref<!tpu.dma_semaphore, #tpu.memory_space<semaphore_mem>>)
    %parallel_loop3A = arith.constant 0 : i32
    %parallel_loop3A_67 = arith.constant 368 : i32
    %parallel_loop3A_68 = arith.constant 1 : i32
    scf.for %parallel_loop3A_81 = %parallel_loop3A to %parallel_loop3A_67 step %parallel_loop3A_68  : i32 {
      %parallel_loop3A_82 = arith.constant 16 : i32
      %parallel_loop3A_83 = arith.muli %parallel_loop3A_81, %parallel_loop3A_82 : i32
      %parallel_loop3A_84 = arith.index_cast %parallel_loop3A_83 : i32 to index
      %parallel_loop3A_85 = tpu.vector_load %arg7[%parallel_loop3A_84] {strides = array<i32>} : memref<5888xf32, #tpu.memory_space<vmem>>, vector<16xf32>,
      tpu.vector_store %arg7[%parallel_loop3A_84], %broadcast_in_dim3A_35 {strides = array<i32>} : memref<5888xf32, #tpu.memory_space<vmem>>, vector<16xf32>,
    } {sc.loop_unroll_factor = 8 : i64, sc.parallel_access}
    %scan3A = arith.constant 0 : i32
    %scan3A_69 = arith.constant 0 : i32
    %scan3A_70 = arith.constant 8 : i32
    %scan3A_71 = arith.addi %scan3A_69, %scan3A_70 : i32
    %scan3A_72 = arith.constant 1 : i32
    %scan3A_73 = scf.for %scan3A_81 = %scan3A_69 to %scan3A_71 step %scan3A_72 iter_args(%scan3A_82 = %scan3A) -> (i32)  : i32 {
      %jit3A_83 = arith.constant 2 : i32
      %eq3A_84 = arith.constant 0 : i32
      %eq3A_85 = arith.cmpi eq, %jit3A_83, %eq3A_84 : i32
      %jit3A_86 = arith.constant 1 : i32
      %select_n3A_87 = arith.select %eq3A_85, %jit3A_86, %jit3A_83 : i32
      %rem3A_88 = arith.remsi %scan3A_81, %select_n3A_87 : i32
      %ne3A_89 = arith.constant 0 : i32
      %ne3A_90 = arith.cmpi ne, %rem3A_88, %ne3A_89 : i32
      %lt3A_91 = arith.constant 0 : i32
      %lt3A_92 = arith.cmpi slt, %rem3A_88, %lt3A_91 : i32
      %lt3A_93 = arith.constant 0 : i32
      %lt3A_94 = arith.cmpi slt, %select_n3A_87, %lt3A_93 : i32
      %ne3A_95 = arith.xori %lt3A_92, %lt3A_94 : i1
      %and3A_96 = arith.andi %ne3A_95, %ne3A_90 : i1
      %add3A_97 = arith.addi %rem3A_88, %select_n3A_87 : i32
      %select_n3A_98 = arith.select %and3A_96, %add3A_97, %rem3A_88 : i32
      %mul3A_99 = arith.constant 32 : i32
      %mul3A_100 = arith.muli %select_n3A_98, %mul3A_99 : i32
      %add3A_101 = arith.constant 1 : i32
      %add3A_102 = arith.addi %scan3A_81, %add3A_101 : i32
      %lt3A_103 = arith.constant 8 : i32
      %lt3A_104 = arith.cmpi slt, %add3A_102, %lt3A_103 : i32
      %convert_element_type3A = arith.extui %lt3A_104 : i1 to i32
      %cond3A = arith.constant 0 : i32
      %cond3A_105 = arith.cmpi ne, %convert_element_type3A, %cond3A : i32
      scf.if %cond3A_105 {
        %add3A_137 = arith.constant 1 : i32
        %add3A_138 = arith.addi %scan3A_81, %add3A_137 : i32
        %sub3A_139 = arith.constant 1 : i32
        %sub3A_140 = arith.subi %sub3A_139, %select_n3A_98 : i32
        %mul3A_141 = arith.constant 32 : i32
        %mul3A_142 = arith.muli %add3A_138, %mul3A_141 : i32
        %add3A_143 = arith.addi %mul3A_32, %mul3A_142 : i32
        %mul3A_144 = arith.constant 32 : i32
        %mul3A_145 = arith.muli %sub3A_140, %mul3A_144 : i32
        %dma_start3A_146 = arith.constant 0 : i32
        %dma_start3A_147 = tpu.memref_slice %arg5[%mul3A_145, %dma_start3A_146] : memref<64x512xi32, #tpu.memory_space<vmem>> -> memref<32x512xi32, #tpu.memory_space<vmem>>
        %dma_start3A_148 = arith.constant 0 : i32
        %dma_start3A_149 = tpu.memref_slice %arg2[%select_n3A, %add3A_143, %dma_start3A_148] : memref<16x512x512xi32, #tpu.memory_space<hbm>> -> memref<1x32x512xi32, #tpu.memory_space<hbm>>
        %dma_start3A_150 = tpu.memref_squeeze %dma_start3A_149 : memref<1x32x512xi32, #tpu.memory_space<hbm>> -> memref<32x512xi32, #tpu.memory_space<hbm>>
        %dma_start3A_151 = tpu.memref_slice %arg9[%sub3A_140] : memref<2x!tpu.dma_semaphore, #tpu.memory_space<semaphore_mem>> -> memref<1x!tpu.dma_semaphore, #tpu.memory_space<semaphore_mem>>
        %dma_start3A_152 = tpu.memref_squeeze %dma_start3A_151 : memref<1x!tpu.dma_semaphore, #tpu.memory_space<semaphore_mem>> -> memref<!tpu.dma_semaphore, #tpu.memory_space<semaphore_mem>>
        %dma_start3A_153 = arith.constant 0 : i32
        %dma_start3A_154 = tpu.memref_slice %arg5[%mul3A_145, %dma_start3A_153] : memref<64x512xi32, #tpu.memory_space<vmem>> -> memref<32x512xi32, #tpu.memory_space<vmem>>
        %dma_start3A_155 = arith.constant 0 : i32
        %dma_start3A_156 = tpu.memref_slice %arg2[%select_n3A, %add3A_143, %dma_start3A_155] : memref<16x512x512xi32, #tpu.memory_space<hbm>> -> memref<1x32x512xi32, #tpu.memory_space<hbm>>
        %dma_start3A_157 = tpu.memref_squeeze %dma_start3A_156 : memref<1x32x512xi32, #tpu.memory_space<hbm>> -> memref<32x512xi32, #tpu.memory_space<hbm>>
        tpu.enqueue_dma source(%dma_start3A_157 : memref<32x512xi32, #tpu.memory_space<hbm>>) target(%dma_start3A_154 : memref<32x512xi32, #tpu.memory_space<vmem>>) target_semaphore(%dma_start3A_152 : memref<!tpu.dma_semaphore, #tpu.memory_space<semaphore_mem>>)
        %dma_start3A_158 = arith.constant 0 : i32
        %dma_start3A_159 = tpu.memref_slice %arg6[%mul3A_145, %dma_start3A_158] : memref<64x512xi32, #tpu.memory_space<vmem>> -> memref<32x512xi32, #tpu.memory_space<vmem>>
        %dma_start3A_160 = arith.constant 0 : i32
        %dma_start3A_161 = tpu.memref_slice %arg3[%select_n3A, %add3A_143, %dma_start3A_160] : memref<16x512x512xi32, #tpu.memory_space<hbm>> -> memref<1x32x512xi32, #tpu.memory_space<hbm>>
        %dma_start3A_162 = tpu.memref_squeeze %dma_start3A_161 : memref<1x32x512xi32, #tpu.memory_space<hbm>> -> memref<32x512xi32, #tpu.memory_space<hbm>>
        %dma_start3A_163 = tpu.memref_slice %arg10[%sub3A_140] : memref<2x!tpu.dma_semaphore, #tpu.memory_space<semaphore_mem>> -> memref<1x!tpu.dma_semaphore, #tpu.memory_space<semaphore_mem>>
        %dma_start3A_164 = tpu.memref_squeeze %dma_start3A_163 : memref<1x!tpu.dma_semaphore, #tpu.memory_space<semaphore_mem>> -> memref<!tpu.dma_semaphore, #tpu.memory_space<semaphore_mem>>
        %dma_start3A_165 = arith.constant 0 : i32
        %dma_start3A_166 = tpu.memref_slice %arg6[%mul3A_145, %dma_start3A_165] : memref<64x512xi32, #tpu.memory_space<vmem>> -> memref<32x512xi32, #tpu.memory_space<vmem>>
        %dma_start3A_167 = arith.constant 0 : i32
        %dma_start3A_168 = tpu.memref_slice %arg3[%select_n3A, %add3A_143, %dma_start3A_167] : memref<16x512x512xi32, #tpu.memory_space<hbm>> -> memref<1x32x512xi32, #tpu.memory_space<hbm>>
        %dma_start3A_169 = tpu.memref_squeeze %dma_start3A_168 : memref<1x32x512xi32, #tpu.memory_space<hbm>> -> memref<32x512xi32, #tpu.memory_space<hbm>>
        tpu.enqueue_dma source(%dma_start3A_169 : memref<32x512xi32, #tpu.memory_space<hbm>>) target(%dma_start3A_166 : memref<32x512xi32, #tpu.memory_space<vmem>>) target_semaphore(%dma_start3A_164 : memref<!tpu.dma_semaphore, #tpu.memory_space<semaphore_mem>>)
      } else {
      }
      %dma_wait3A = arith.constant 0 : i32
      %dma_wait3A_106 = tpu.memref_slice %arg5[%mul3A_100, %dma_wait3A] : memref<64x512xi32, #tpu.memory_space<vmem>> -> memref<32x512xi32, #tpu.memory_space<vmem>>
      %dma_wait3A_107 = arith.constant 0 : i32
      %dma_wait3A_108 = tpu.memref_slice %arg2[%select_n3A, %mul3A_32, %dma_wait3A_107] : memref<16x512x512xi32, #tpu.memory_space<hbm>> -> memref<1x32x512xi32, #tpu.memory_space<hbm>>
      %dma_wait3A_109 = tpu.memref_squeeze %dma_wait3A_108 : memref<1x32x512xi32, #tpu.memory_space<hbm>> -> memref<32x512xi32, #tpu.memory_space<hbm>>
      %dma_wait3A_110 = tpu.memref_slice %arg9[%select_n3A_98] : memref<2x!tpu.dma_semaphore, #tpu.memory_space<semaphore_mem>> -> memref<1x!tpu.dma_semaphore, #tpu.memory_space<semaphore_mem>>
      %dma_wait3A_111 = tpu.memref_squeeze %dma_wait3A_110 : memref<1x!tpu.dma_semaphore, #tpu.memory_space<semaphore_mem>> -> memref<!tpu.dma_semaphore, #tpu.memory_space<semaphore_mem>>
      %dma_wait3A_112 = arith.constant 0 : i32
      %dma_wait3A_113 = tpu.memref_slice %arg5[%mul3A_100, %dma_wait3A_112] : memref<64x512xi32, #tpu.memory_space<vmem>> -> memref<32x512xi32, #tpu.memory_space<vmem>>
      %dma_wait3A_114 = arith.constant 0 : i32
      %dma_wait3A_115 = tpu.memref_slice %arg2[%select_n3A, %mul3A_32, %dma_wait3A_114] : memref<16x512x512xi32, #tpu.memory_space<hbm>> -> memref<1x32x512xi32, #tpu.memory_space<hbm>>
      %dma_wait3A_116 = tpu.memref_squeeze %dma_wait3A_115 : memref<1x32x512xi32, #tpu.memory_space<hbm>> -> memref<32x512xi32, #tpu.memory_space<hbm>>
      tpu.wait_dma2 semaphore(%dma_wait3A_111 : memref<!tpu.dma_semaphore, #tpu.memory_space<semaphore_mem>>) src(%dma_wait3A_116 : memref<32x512xi32, #tpu.memory_space<hbm>>) dst(%dma_wait3A_113 : memref<32x512xi32, #tpu.memory_space<vmem>>)
      %dma_wait3A_117 = arith.constant 0 : i32
      %dma_wait3A_118 = tpu.memref_slice %arg6[%mul3A_100, %dma_wait3A_117] : memref<64x512xi32, #tpu.memory_space<vmem>> -> memref<32x512xi32, #tpu.memory_space<vmem>>
      %dma_wait3A_119 = arith.constant 0 : i32
      %dma_wait3A_120 = tpu.memref_slice %arg3[%select_n3A, %mul3A_32, %dma_wait3A_119] : memref<16x512x512xi32, #tpu.memory_space<hbm>> -> memref<1x32x512xi32, #tpu.memory_space<hbm>>
      %dma_wait3A_121 = tpu.memref_squeeze %dma_wait3A_120 : memref<1x32x512xi32, #tpu.memory_space<hbm>> -> memref<32x512xi32, #tpu.memory_space<hbm>>
      %dma_wait3A_122 = tpu.memref_slice %arg10[%select_n3A_98] : memref<2x!tpu.dma_semaphore, #tpu.memory_space<semaphore_mem>> -> memref<1x!tpu.dma_semaphore, #tpu.memory_space<semaphore_mem>>
      %dma_wait3A_123 = tpu.memref_squeeze %dma_wait3A_122 : memref<1x!tpu.dma_semaphore, #tpu.memory_space<semaphore_mem>> -> memref<!tpu.dma_semaphore, #tpu.memory_space<semaphore_mem>>
      %dma_wait3A_124 = arith.constant 0 : i32
      %dma_wait3A_125 = tpu.memref_slice %arg6[%mul3A_100, %dma_wait3A_124] : memref<64x512xi32, #tpu.memory_space<vmem>> -> memref<32x512xi32, #tpu.memory_space<vmem>>
      %dma_wait3A_126 = arith.constant 0 : i32
      %dma_wait3A_127 = tpu.memref_slice %arg3[%select_n3A, %mul3A_32, %dma_wait3A_126] : memref<16x512x512xi32, #tpu.memory_space<hbm>> -> memref<1x32x512xi32, #tpu.memory_space<hbm>>
      %dma_wait3A_128 = tpu.memref_squeeze %dma_wait3A_127 : memref<1x32x512xi32, #tpu.memory_space<hbm>> -> memref<32x512xi32, #tpu.memory_space<hbm>>
      tpu.wait_dma2 semaphore(%dma_wait3A_123 : memref<!tpu.dma_semaphore, #tpu.memory_space<semaphore_mem>>) src(%dma_wait3A_128 : memref<32x512xi32, #tpu.memory_space<hbm>>) dst(%dma_wait3A_125 : memref<32x512xi32, #tpu.memory_space<vmem>>)
      %add3A_129 = arith.constant 5776 : i32
      %add3A_130 = vector.broadcast %add3A_129 : i32 to vector<16xi32>
      %add3A_131 = arith.addi %add3A_130, %iota3A : vector<16xi32>
      %parallel_loop3A_132 = arith.constant 0 : i32
      %parallel_loop3A_133 = arith.constant 1024 : i32
      %parallel_loop3A_134 = arith.constant 1 : i32
      %parallel_loop3A_135 = scf.for %parallel_loop3A_137 = %parallel_loop3A_132 to %parallel_loop3A_133 step %parallel_loop3A_134 iter_args(%parallel_loop3A_138 = %add3A_131) -> (vector<16xi32>)  : i32 {
        %parallel_loop3A_139 = arith.constant 32 : i32
        %parallel_loop3A_140 = arith.divsi %parallel_loop3A_137, %parallel_loop3A_139 : i32
        %parallel_loop3A_141 = arith.constant 0 : i32
        %parallel_loop3A_142 = arith.cmpi sgt, %parallel_loop3A_137, %parallel_loop3A_141 : i32
        %parallel_loop3A_143 = arith.extui %parallel_loop3A_142 : i1 to i32
        %parallel_loop3A_144 = arith.constant 0 : i32
        %parallel_loop3A_145 = arith.cmpi slt, %parallel_loop3A_137, %parallel_loop3A_144 : i32
        %parallel_loop3A_146 = arith.extui %parallel_loop3A_145 : i1 to i32
        %parallel_loop3A_147 = arith.subi %parallel_loop3A_143, %parallel_loop3A_146 : i32
        %parallel_loop3A_148 = arith.constant 0 : i32
        %parallel_loop3A_149 = arith.cmpi sgt, %parallel_loop3A_139, %parallel_loop3A_148 : i32
        %parallel_loop3A_150 = arith.extui %parallel_loop3A_149 : i1 to i32
        %parallel_loop3A_151 = arith.constant 0 : i32
        %parallel_loop3A_152 = arith.cmpi slt, %parallel_loop3A_139, %parallel_loop3A_151 : i32
        %parallel_loop3A_153 = arith.extui %parallel_loop3A_152 : i1 to i32
        %parallel_loop3A_154 = arith.subi %parallel_loop3A_150, %parallel_loop3A_153 : i32
        %parallel_loop3A_155 = arith.cmpi ne, %parallel_loop3A_147, %parallel_loop3A_154 : i32
        %parallel_loop3A_156 = arith.remsi %parallel_loop3A_137, %parallel_loop3A_139 : i32
        %parallel_loop3A_157 = arith.constant 0 : i32
        %parallel_loop3A_158 = arith.cmpi ne, %parallel_loop3A_156, %parallel_loop3A_157 : i32
        %parallel_loop3A_159 = arith.andi %parallel_loop3A_155, %parallel_loop3A_158 : i1
        %parallel_loop3A_160 = arith.constant 1 : i32
        %parallel_loop3A_161 = arith.subi %parallel_loop3A_140, %parallel_loop3A_160 : i32
        %parallel_loop3A_162 = arith.select %parallel_loop3A_159, %parallel_loop3A_161, %parallel_loop3A_140 : i32
        %parallel_loop3A_163 = arith.addi %mul3A_100, %parallel_loop3A_162 : i32
        %parallel_loop3A_164 = arith.constant 32 : i32
        %parallel_loop3A_165 = arith.constant 0 : i32
        %parallel_loop3A_166 = arith.cmpi eq, %parallel_loop3A_164, %parallel_loop3A_165 : i32
        %parallel_loop3A_167 = arith.constant 1 : i32
        %parallel_loop3A_168 = arith.select %parallel_loop3A_166, %parallel_loop3A_167, %parallel_loop3A_164 : i32
        %parallel_loop3A_169 = arith.remsi %parallel_loop3A_137, %parallel_loop3A_168 : i32
        %parallel_loop3A_170 = arith.constant 0 : i32
        %parallel_loop3A_171 = arith.cmpi ne, %parallel_loop3A_169, %parallel_loop3A_170 : i32
        %parallel_loop3A_172 = arith.constant 0 : i32
        %parallel_loop3A_173 = arith.cmpi slt, %parallel_loop3A_169, %parallel_loop3A_172 : i32
        %parallel_loop3A_174 = arith.constant 0 : i32
        %parallel_loop3A_175 = arith.cmpi slt, %parallel_loop3A_168, %parallel_loop3A_174 : i32
        %parallel_loop3A_176 = arith.xori %parallel_loop3A_173, %parallel_loop3A_175 : i1
        %parallel_loop3A_177 = arith.andi %parallel_loop3A_176, %parallel_loop3A_171 : i1
        %parallel_loop3A_178 = arith.addi %parallel_loop3A_169, %parallel_loop3A_168 : i32
        %parallel_loop3A_179 = arith.select %parallel_loop3A_177, %parallel_loop3A_178, %parallel_loop3A_169 : i32
        %parallel_loop3A_180 = arith.constant 16 : i32
        %parallel_loop3A_181 = arith.muli %parallel_loop3A_179, %parallel_loop3A_180 : i32
        %parallel_loop3A_182 = arith.index_cast %parallel_loop3A_163 : i32 to index
        %parallel_loop3A_183 = arith.index_cast %parallel_loop3A_181 : i32 to index
        %parallel_loop3A_184 = tpu.vector_load %arg5[%parallel_loop3A_182, %parallel_loop3A_183] {strides = array<i32>} : memref<64x512xi32, #tpu.memory_space<vmem>>, vector<16xi32>,
        %parallel_loop3A_185 = arith.index_cast %parallel_loop3A_163 : i32 to index
        %parallel_loop3A_186 = arith.index_cast %parallel_loop3A_181 : i32 to index
        %parallel_loop3A_187 = tpu.vector_load %arg6[%parallel_loop3A_185, %parallel_loop3A_186] {strides = array<i32>} : memref<64x512xi32, #tpu.memory_space<vmem>>, vector<16xi32>,
        tpu.vector_store_idx %arg7[%parallel_loop3A_138], %broadcast_in_dim3A_33 {add = true} : memref<5888xf32, #tpu.memory_space<vmem>>[vector<16xi32>], vector<16xf32>,
        %parallel_loop3A_188 = arith.constant 19 : i32
        %parallel_loop3A_189 = vector.broadcast %parallel_loop3A_188 : i32 to vector<16xi32>
        %parallel_loop3A_190 = arith.muli %parallel_loop3A_184, %parallel_loop3A_189 : vector<16xi32>
        %parallel_loop3A_191 = arith.addi %parallel_loop3A_190, %parallel_loop3A_187 : vector<16xi32>
        %parallel_loop3A_192 = arith.constant 16 : i32
        %parallel_loop3A_193 = vector.broadcast %parallel_loop3A_192 : i32 to vector<16xi32>
        %parallel_loop3A_194 = arith.muli %parallel_loop3A_191, %parallel_loop3A_193 : vector<16xi32>
        %parallel_loop3A_195 = arith.addi %parallel_loop3A_194, %iota3A : vector<16xi32>
        scf.yield %parallel_loop3A_195 : vector<16xi32>
      } {sc.loop_unroll_factor = 16 : i64, sc.parallel_access}
      tpu.vector_store_idx %arg7[%parallel_loop3A_135], %broadcast_in_dim3A_33 {add = true} : memref<5888xf32, #tpu.memory_space<vmem>>[vector<16xi32>], vector<16xf32>,
      %scan3A_136 = arith.constant 0 : i32
      scf.yield %scan3A_136 : i32
    }
    %scan3A_74 = arith.constant 8 : i32
    %parallel_loop3A_75 = arith.constant 0 : i32
    %parallel_loop3A_76 = arith.constant 368 : i32
    %parallel_loop3A_77 = arith.constant 1 : i32
    scf.for %parallel_loop3A_81 = %parallel_loop3A_75 to %parallel_loop3A_76 step %parallel_loop3A_77  : i32 {
      %parallel_loop3A_82 = arith.constant 16 : i32
      %parallel_loop3A_83 = arith.muli %parallel_loop3A_81, %parallel_loop3A_82 : i32
      %parallel_loop3A_84 = arith.index_cast %parallel_loop3A_83 : i32 to index
      %parallel_loop3A_85 = tpu.vector_load %arg7[%parallel_loop3A_84] {strides = array<i32>} : memref<5888xf32, #tpu.memory_space<vmem>>, vector<16xf32>,
      %parallel_loop3A_86 = arith.constant true
      %parallel_loop3A_87 = vector.broadcast %parallel_loop3A_86 : i1 to vector<16xi1>
      %parallel_loop3A_88 = tpu.scan <sum>, %parallel_loop3A_85 masked %parallel_loop3A_87 : vector<16xf32>, vector<16xi1> -> vector<16xf32>
      %parallel_loop3A_89 = arith.constant 16 : i32
      %parallel_loop3A_90 = arith.muli %parallel_loop3A_81, %parallel_loop3A_89 : i32
      %parallel_loop3A_91 = arith.index_cast %parallel_loop3A_90 : i32 to index
      %parallel_loop3A_92 = tpu.vector_load %arg7[%parallel_loop3A_91] {strides = array<i32>} : memref<5888xf32, #tpu.memory_space<vmem>>, vector<16xf32>,
      tpu.vector_store %arg7[%parallel_loop3A_91], %parallel_loop3A_88 {strides = array<i32>} : memref<5888xf32, #tpu.memory_space<vmem>>, vector<16xf32>,
    } {sc.loop_unroll_factor = 8 : i64, sc.parallel_access}
    %parallel_loop3A_78 = arith.constant 0 : i32
    %parallel_loop3A_79 = arith.constant 23 : i32
    %parallel_loop3A_80 = arith.constant 1 : i32
    scf.for %parallel_loop3A_81 = %parallel_loop3A_78 to %parallel_loop3A_79 step %parallel_loop3A_80  : i32 {
      %parallel_loop3A_82 = arith.constant 16 : i32
      %parallel_loop3A_83 = arith.muli %parallel_loop3A_81, %parallel_loop3A_82 : i32
      %parallel_loop3A_84 = vector.broadcast %parallel_loop3A_83 : i32 to vector<16xi32>
      %parallel_loop3A_85 = arith.addi %parallel_loop3A_84, %iota3A : vector<16xi32>
      %parallel_loop3A_86 = arith.constant 16 : i32
      %parallel_loop3A_87 = vector.broadcast %parallel_loop3A_86 : i32 to vector<16xi32>
      %parallel_loop3A_88 = arith.muli %parallel_loop3A_85, %parallel_loop3A_87 : vector<16xi32>
      %parallel_loop3A_89 = arith.constant 15 : i32
      %parallel_loop3A_90 = vector.broadcast %parallel_loop3A_89 : i32 to vector<16xi32>
      %parallel_loop3A_91 = arith.addi %parallel_loop3A_88, %parallel_loop3A_90 : vector<16xi32>
      %parallel_loop3A_92 = tpu.vector_load_idx %arg7[%parallel_loop3A_91] : memref<5888xf32, #tpu.memory_space<vmem>>[vector<16xi32>], vector<16xf32>,
      %parallel_loop3A_93 = arith.constant 16 : i32
      %parallel_loop3A_94 = arith.muli %parallel_loop3A_81, %parallel_loop3A_93 : i32
      %parallel_loop3A_95 = arith.index_cast %parallel_loop3A_94 : i32 to index
      %parallel_loop3A_96 = tpu.vector_load %arg8[%parallel_loop3A_95] {strides = array<i32>} : memref<368xf32, #tpu.memory_space<vmem>>, vector<16xf32>,
      tpu.vector_store %arg8[%parallel_loop3A_95], %parallel_loop3A_92 {strides = array<i32>} : memref<368xf32, #tpu.memory_space<vmem>>, vector<16xf32>,
    } {sc.loop_unroll_factor = 4 : i64, sc.parallel_access}
    "tpu.region"() ({
      %run_scoped3A = tpu.sem_alloc : memref<!tpu.dma_semaphore, #tpu.memory_space<semaphore_mem>>
      %dma_start3A_81 = arith.constant 0 : i32
      %dma_start3A_82 = tpu.memref_slice %arg4[%add3A, %dma_start3A_81] : memref<32x368xf32, #tpu.memory_space<hbm>> -> memref<1x368xf32, #tpu.memory_space<hbm>>
      %dma_start3A_83 = tpu.memref_squeeze %dma_start3A_82 : memref<1x368xf32, #tpu.memory_space<hbm>> -> memref<368xf32, #tpu.memory_space<hbm>>
      %dma_start3A_84 = arith.constant 0 : i32
      %dma_start3A_85 = tpu.memref_slice %arg4[%add3A, %dma_start3A_84] : memref<32x368xf32, #tpu.memory_space<hbm>> -> memref<1x368xf32, #tpu.memory_space<hbm>>
      %dma_start3A_86 = tpu.memref_squeeze %dma_start3A_85 : memref<1x368xf32, #tpu.memory_space<hbm>> -> memref<368xf32, #tpu.memory_space<hbm>>
      tpu.enqueue_dma source(%arg8 : memref<368xf32, #tpu.memory_space<vmem>>) target(%dma_start3A_86 : memref<368xf32, #tpu.memory_space<hbm>>) target_semaphore(%run_scoped3A : memref<!tpu.dma_semaphore, #tpu.memory_space<semaphore_mem>>)
      %dma_wait3A = arith.constant 0 : i32
      %dma_wait3A_87 = tpu.memref_slice %arg4[%add3A, %dma_wait3A] : memref<32x368xf32, #tpu.memory_space<hbm>> -> memref<1x368xf32, #tpu.memory_space<hbm>>
      %dma_wait3A_88 = tpu.memref_squeeze %dma_wait3A_87 : memref<1x368xf32, #tpu.memory_space<hbm>> -> memref<368xf32, #tpu.memory_space<hbm>>
      %dma_wait3A_89 = arith.constant 0 : i32
      %dma_wait3A_90 = tpu.memref_slice %arg4[%add3A, %dma_wait3A_89] : memref<32x368xf32, #tpu.memory_space<hbm>> -> memref<1x368xf32, #tpu.memory_space<hbm>>
      %dma_wait3A_91 = tpu.memref_squeeze %dma_wait3A_90 : memref<1x368xf32, #tpu.memory_space<hbm>> -> memref<368xf32, #tpu.memory_space<hbm>>
      tpu.wait_dma2 semaphore(%run_scoped3A : memref<!tpu.dma_semaphore, #tpu.memory_space<semaphore_mem>>) src(%arg8 : memref<368xf32, #tpu.memory_space<vmem>>) dst(%dma_wait3A_91 : memref<368xf32, #tpu.memory_space<hbm>>)
      tpu.yield
    }) : () -> ()
    return
  }
}

</mosaic_0001>

<sc_bundles>
// kernel: _confusion.3.cloned.1.call-start
scs
__scs_entry_jumppad:
0x0: {  	(pc) =	sbr.rel $0x88, $3  }
0x1: {  	(tag) =	ssettag $0x0;
	lr =	simm.s32 $0x1  }
0x2: {  	[smem:$0x3F9F] =	sst lr;
	_ =	strace $0xD0000000  }
0x3: {  	_ = 	snop  }
0x4: {  	_ = 	snop  }
0x5: {  	_ = 	snop  }
0x6: {  	_ = 	snop  }
0x7: {  	_ = 	snop  }
__scs_overlays_trampoline_lowered:
0x8: {  	[smem:$0x3FAE] =	sst s0  }
0x9: {  	[smem:$0x3FAF] =	sst s1  }
0xa: {  	[smem:$0x3FB0] =	sst s2  }
0xb: {  	[smem:$0x3FB1] =	sst s3  }
0xc: {  	[smem:$0x3FB2] =	sst s4  }
0xd: {  	[smem:$0x3FB3] =	sst s5  }
0xe: {  	[smem:$0x3FB4] =	sst s6  }
0xf: {  	[smem:$0x3FB5] =	sst s7  }
0x10: {  	[smem:$0x3FB6] =	sst s8  }
0x11: {  	[smem:$0x3FB7] =	sst s9;
	s0 =	simm.s32 @!p0 $0x0  }
0x12: {  	s1 =	sld [smem:$0x3F9D];
	s0 =	simm.s32 @p0 $0x1  }
0x13: {  	[smem:$0x3FB8] =	sst s0;
	s0 =	simm.s32 @!p1 $0x0  }
0x14: {  	s2 =	sld [smem:$0x3F9C];
	s0 =	simm.s32 @p1 $0x1  }
0x15: {  	[smem:$0x3FB9] =	sst s0;
	s0 =	simm.s32 @!p2 $0x0  }
0x16: {  	s3 =	sld [smem:$0x3FDB];
	s0 =	simm.s32 @p2 $0x1  }
0x17: {  	s4 =	simm.s32 $0x1BF5;
	[smem:$0x3FBB] =	sst s0  }
0x18: {  	s0 =	sld [smem:$0x3F9E];
	_ =	swait.ge [sflag:s4], $0x0  }
0x19: {  	s7 =	sld [smem:$0x3F9F]  }
0x1a: {  	s8 =	sadd.s32 $0xFFFFE003, lr  }
0x1b: {  	s9 =	sadd.s32 $0xFFFFFEF7, lr;
	s5 =	simm.s32 $0xFFFFFFFF;
	p2 =	slt.u32 s8, $0xFFFFF086  }
0x1c: {  	p1 =	slt.u32 s9, $0xF7A;
	s5 =	simm.s32 @!p2 $0x0  }
0x1d: {  	s5 =	simm.s32 @p1 $0x1;
	p0 =	seq.s32 s7, s2  }
0x1e: {  	s7 =	smul.u32 @!p0 $0xF7A, s2;
	p2 =	seq.s32 @!p0 s5, $0x0  }
0x1f: {  	s9 =	smul.u32 $0xF7A, s1;
	s8 =	simm.s32 @!p0 $0x1BF5;
	p2 =	por !p2, p0  }
0x20: {  	[sflag:s8] =	ssyncset.s32 @!p0 $0xFFFFF086;
	s6 =	sadd.s32 @!p0 s3, s7;
	s7 =	simm.s32 @!p0 $0x108  }
0x21: {  	s3 =	sadd.s32 s3, s9;
	s6 =	sadd.s32 @!p0 $0x88, s6;
	s7 =	simm.s32 @p2 $0x1082  }
0x22: {  	[simem:s7], [sflag:s8] =	dma.local @!p0 [hbm:s6], $0xF7A  }
0x23: {  	s9 =	sor.u32 $0xD0000000, s2;
	s6 =	simm.s32 $0x108;
	_ =	swait.ge @!p0 [sflag:s8], $0x0  }
0x24: {  	s3 =	sadd.s32 $0x88, s3;
	s6 =	simm.s32 @!p1 $0x1082;
	[sflag:s4] =	ssyncset.s32 $0xFFFFF086  }
0x25: {  	[simem:s6], [sflag:s4] =	dma.local [hbm:s3], $0xF7A  }
0x26: {  	[smem:$0x3F9F] =	sst s1;
	(tag) =	ssettag s2;
	_ =	strace s9  }
0x27: {  	s1 =	sld [smem:$0x3FAF]  }
0x28: {  	s2 =	sld [smem:$0x3FB0]  }
0x29: {  	s4 =	sld [smem:$0x3FB2]  }
0x2a: {  	p0 =	seq.s32 s5, $0x0;
	s5 =	sld [smem:$0x3FB3]  }
0x2b: {  	s6 =	sld [smem:$0x3FB4]  }
0x2c: {  	s7 =	sld [smem:$0x3FB5]  }
0x2d: {  	s3 =	simm.s32 $0x108;
	s8 =	sld [smem:$0x3FB6]  }
0x2e: {  	s3 =	simm.s32 @!p0 $0x1082;
	s9 =	sld [smem:$0x3FB7]  }
0x2f: {  	lr =	sadd.s32 s0, s3;
	s0 =	sld [smem:$0x3FAE]  }
0x30: {  	s3 =	sld [smem:$0x3FB1]  }
0x31: {  	[smem:$0x3FBA] =	sst s10  }
0x32: {  	s10 =	sld [smem:$0x3FB8];
	_ =	sdelay $0x3  }
0x33: {  	p0 =	seq.s32 s10, $0x1;
	s10 =	sld [smem:$0x3FBA];
	_ =	sdelay $0x3  }
0x34: {  	[smem:$0x3FBA] =	sst s10  }
0x35: {  	s10 =	sld [smem:$0x3FB9];
	_ =	sdelay $0x3  }
0x36: {  	p1 =	seq.s32 s10, $0x1;
	s10 =	sld [smem:$0x3FBA];
	_ =	sdelay $0x3  }
0x37: {  	[smem:$0x3FBA] =	sst s10  }
0x38: {  	s10 =	sld [smem:$0x3FBB]  }
0x39: {  	_ = 	snop;
	(pc) =	sbr.ind lr, $3  }
0x3a: {  	_ = 	snop  }
0x3b: {  	_ = 	snop  }
0x3c: {  	p2 =	seq.s32 s10, $0x1;
	s10 =	sld [smem:$0x3FBA]  }
0x3d: {  	_ =	shalt  }
0x3e: {  	_ =	shalt  }
0x3f: {  	_ =	shalt  }
0x40: {  	_ =	shalt  }
0x41: {  	_ =	shalt  }
0x42: {  	_ =	shalt  }
0x43: {  	_ =	shalt  }
0x44: {  	_ =	shalt  }
0x45: {  	_ =	shalt  }
0x46: {  	_ =	shalt  }
0x47: {  	_ =	shalt  }
0x48: {  	_ =	shalt  }
0x49: {  	_ =	shalt  }
0x4a: {  	_ =	shalt  }
0x4b: {  	_ =	shalt  }
0x4c: {  	_ =	shalt  }
0x4d: {  	_ =	shalt  }
0x4e: {  	_ =	shalt  }
0x4f: {  	_ =	shalt  }
0x50: {  	_ =	shalt  }
0x51: {  	_ =	shalt  }
0x52: {  	_ =	shalt  }
0x53: {  	_ =	shalt  }
0x54: {  	_ =	shalt  }
0x55: {  	_ =	shalt  }
0x56: {  	_ =	shalt  }
0x57: {  	_ =	shalt  }
0x58: {  	_ =	shalt  }
0x59: {  	_ =	shalt  }
0x5a: {  	_ =	shalt  }
0x5b: {  	_ =	shalt  }
0x5c: {  	_ =	shalt  }
0x5d: {  	_ =	shalt  }
0x5e: {  	_ =	shalt  }
0x5f: {  	_ =	shalt  }
0x60: {  	_ =	shalt  }
0x61: {  	_ =	shalt  }
0x62: {  	_ =	shalt  }
0x63: {  	_ =	shalt  }
0x64: {  	_ =	shalt  }
0x65: {  	_ =	shalt  }
0x66: {  	_ =	shalt  }
0x67: {  	_ =	shalt  }
0x68: {  	_ =	shalt  }
0x69: {  	_ =	shalt  }
0x6a: {  	_ =	shalt  }
0x6b: {  	_ =	shalt  }
0x6c: {  	_ =	shalt  }
0x6d: {  	_ =	shalt  }
0x6e: {  	_ =	shalt  }
0x6f: {  	_ =	shalt  }
0x70: {  	_ =	shalt  }
0x71: {  	_ =	shalt  }
0x72: {  	_ =	shalt  }
0x73: {  	_ =	shalt  }
0x74: {  	_ =	shalt  }
0x75: {  	_ =	shalt  }
0x76: {  	_ =	shalt  }
0x77: {  	_ =	shalt  }
0x78: {  	_ =	shalt  }
0x79: {  	_ =	shalt  }
0x7a: {  	_ =	shalt  }
0x7b: {  	_ =	shalt  }
0x7c: {  	_ =	shalt  }
0x7d: {  	_ =	shalt  }
0x7e: {  	_ =	shalt  }
0x7f: {  	_ =	shalt  }
0x80: {  	_ =	shalt  }
0x81: {  	_ =	shalt  }
0x82: {  	_ =	shalt  }
0x83: {  	_ =	shalt  }
0x84: {  	_ =	shalt  }
0x85: {  	_ =	shalt  }
0x86: {  	_ =	shalt  }
0x87: {  	_ =	shalt  }
.Lfunc_end0:
.L_simem_size_0:
called_computation_lowered:
.L_overlay_start_0:
0x88: {  	s2 =	sld [smem:$0x3FD9]  }
0x89: {  	s3 =	sld [smem:$0x3FFE];
	_ =	sdelay $0x1  }
0x8a: {  	s1 =	srdreg.scid  }
0x8b: {  	s0 =	sand.u32 $0x1, s1  }
0x8c: {  	s17 =	sshll.u32 s0, $0xA;
	s2 =	sadd.s32 s3, s2  }
0x8d: {  	s2 =	sadd.s32 s2, s17  }
0x8e: {  	[smem:$0x3FC6] =	sst s2  }
0x8f: {  	_ = 	snop  }
0x90: {  	s2 =	sld [smem:$0x3FC9]  }
0x91: {  	s18 =	sld [smem:$0x3FC8];
	(tm) =	ssettm $0x1  }
0x92: {  	s4 =	sld [smem:$0x3FFB];
	_ =	sdelay $0x3  }
0x93: {  	_ =	strace s4  }
0x94: {  	s4 =	sld [smem:$0x3FFC];
	_ =	sdelay $0x3  }
0x95: {  	_ =	strace s4  }
0x96: {  	s4 =	sld [smem:$0x3FFD];
	_ =	sdelay $0x3  }
0x97: {  	_ =	strace s4  }
0x98: {  	_ =	strace $0x8FFFFFFF  }
0x99: {  	s19 =	sld [smem:$0x3FDB];
	_ =	sdelay $0x1  }
0x9a: {  	s5 =	simm.s32 $_scs_section_size  }
0x9b: {  	s6 =	simm.s32 $_size__tile_overlayer_lowered;
	s7 =	simm.s32 $_tile_overlayer_lowered  }
0x9c: {  	s22 =	simm.s32 $0x1BFF;
	s21 =	sshll.u32 s7, $0x1;
	s4 =	sadd.s32 s5, s19  }
0x9d: {  	s8 =	simm.s32 $0x0;
	s20 =	sshll.u32 s6, $0x1;
	s6 =	sadd.s32 s21, s4  }
0x9e: {  	[timem:s8], [sflag:s22] =	dma.local [hbm:s6], s20  }
0x9f: {  	_ =	swait.ge [sflag:s22], s20  }
0xa0: {  	s5 =	ssub.s32 $0x0, s20;
	[sflag:s22] =	ssyncset.done $0x0  }
0xa1: {  	[sflag:s22] =	ssyncadd.s32 s5;
	_ =	sdelay $0x1  }
0xa2: {  	s23 =	simm.s32 $0x1B8B  }
0xa3: {  	_ =	swait.ge [sflag:s23], $0x1  }
0xa4: {  	[sflag:s23] =	ssyncset.done $0x0  }
0xa5: {  	s25 =	simm.s32 $0x1B8E;
	s24 =	sld [smem:$0x3FFE];
	[sflag:s23] =	ssyncadd.s32 $0xFFFFFFFF  }
0xa6: {  	s26 =	simm.s32 $execute0_lowered;
	[smem:$0x3FD2] =	sst s25  }
0xa7: {  	s6 =	sshll.u32 s26, $0x1;
	_ =	strace $0x80000046;
	[dreg:$0x1] =	wrdreg $0xFFFFFFFF  }
0xa8: {  	s28 =	simm.s32 $_size_execute0_lowered;
	s4 =	sadd.s32 s4, s6;
	[dreg:$0x0] =	wrdreg $0x0  }
0xa9: {  	s6 =	sshll.u32 s28, $0x1;
	[dreg:$0x2] =	wrdreg s4  }
0xaa: {  	[dreg:$0x3] =	wrdreg s6  }
0xab: {  	[dreg:$0x4] =	wrdreg $0xC0  }
0xac: {  	_ =	task [dreg:s8], $0x5FFFF  }
0xad: {  	[dreg:$0x1] =	wrdreg $0xFFFFFFFF  }
0xae: {  	[dreg:$0x0] =	wrdreg $0x60  }
0xaf: {  	[dreg:$0x2] =	wrdreg s2  }
0xb0: {  	[dreg:$0x3] =	wrdreg s18  }
0xb1: {  	[dreg:$0x4] =	wrdreg s24  }
0xb2: {  	[dreg:$0x5] =	wrdreg $0x9  }
0xb3: {  	_ =	task.clear_ibuf [dreg:s8], $0x6FFFF;
	_ =	strace $0x90000046  }
0xb4: {  	s29 =	simm.s32 $0x9;
	_ =	strace $0x80000048  }
0xb5: {  	_ =	swait.ge [sflag:s29], $0x1  }
0xb6: {  	[sflag:s29] =	ssyncadd.s32 $0xFFFFFFFF  }
0xb7: {  	_ =	strace $0x90000048  }
0xb8: {  	_ =	sfence  }
0xb9: {  	s30 =	sld [smem:$0x0];
	_ =	sdelay $0x2  }
0xba: {  	s31 =	sshll.u32 s1, $0xD;
	s1 =	sshrl.u32 s1, $0x2  }
0xbb: {  	s3 =	sand.u32 $0x4000, s31;
	s1 =	sadd.s32 s1, s30  }
0xbc: {  	s0 =	sor.u32 s3, s0;
	s1 =	sshll.u32 s1, $0x11  }
0xbd: {  	s0 =	sor.u32 s1, s0  }
0xbe: {  	s0 =	sadd.s32 $0x8F2B, s0  }
0xbf: {  	[sflag:s0] =	ssyncadd.remote.s32 $0x1  }
0xc0: {  	_ =	sfence.sel $0xFFFF  }
0xc1: {  	[dreg:$0x0] =	wrdreg $0xFFFFFFFF;
	(pc) =	sbr.abs _section_cstart, $3  }
0xc2: {  	[dreg:$0x1] =	wrdreg $0xFFFFFFFF  }
0xc3: {  	_ =	task.clear_ibuf [dreg:s8], $0x2FFFF;
	_ =	strace $0x9FFFFFFF  }
0xc4: {  	(tm) =	ssettm $0x7FFFFFFF  }
0xc5: {  	_ =	shalt  }
tec
execute0_lowered:
.L_overlay_start_1:
0x0: {  	(tag) =	ssettag $0x1  }
0x1: {  	s2 =	srdreg.scid;
	s1 =	rddreg [dreg:$0x0]  }
0x2: {  	s0 =	stileid.u32;
	s3 =	rddreg [dreg:$0x1]  }
0x3: {  	s8 =	rddreg [dreg:$0x2];
	s4 =	simm.s32 $0x0;
	s7 =	simm.s32 $0x1  }
0x4: {  	s12 =	simm.s32 $0x80;
	s13 =	simm.s32 $0x400;
	s14 =	simm.s32 $0x11700  }
0x5: {  	s15 =	simm.s32 $0x5;
	s5 =	sand.u32 $0x1, s2;
	s31 =	sshll.u32 s0, $0x1  }
0x6: {  	s16 =	simm.s32 $0x0;
	s2 =	rddreg [dreg:$0x3];
	s6 =	sor.u32 s5, s31  }
0x7: {  	[smem:$0x7FF] =	sst s4;
	p1 =	seq.s32 s5, $0x1;
	p0 =	seq.s32 s6, $0x0  }
0x8: {  	s10 =	sshrl.u32 s0, $0x2;
	_ =	strace $0x80000047;
	p0 =	por !p0, !p1  }
0x9: {  	s9 =	ssub.s32 $0x2, s5;
	s5 =	sshll.u32 s5, $0x11;
	p0 =	por !p0, !p0  }
0xa: {  	s10 =	smul.u32 $0xC00, s10;
	s6 =	sshll.u32 s6, $0x7;
	s7 =	simm.s32 @!p0 $0x0  }
0xb: {  	s11 =	sshrl.u32 s9, $0x1;
	s6 =	sand.u32 $0x380, s6;
	s7 =	ssub.s32 s0, s7  }
0xc: {  	s9 =	ssub.s32 s9, s11;
	s10 =	sor.u32 s10, s6;
	s7 =	sshll.u32 s7, $0x12  }
0xd: {  	s11 =	simm.s32 $0x10000;
	s10 =	sshrl.u32 s10, $0x3;
	s5 =	sor.u32 s5, s7  }
0xe: {  	v0 =	vimm.f32 $0.0e+00;
	v1 =	vlaneseq.u32;
	s9 =	smax.u32 s9, $0x1;
	s8 =	sadd.s32 s8, s10;
	s7 =	sshrl.u32 s5, $0x3  }
0xf: {  	v3 =	vimm.f32 $1.000000000e+00;
	v2 =	vor.u32 $0x1690, v1;
	v4 =	vmul.u32 $0x10, v1;
	s10 =	simm.s32 $0x8000;
	s6 =	sadd.s32 s1, s7;
	s7 =	sadd.s32 s3, s7  }
.LBB2_1:
0x10: {  	[tilespmem:s4], [sflag:$0x1] =	stream.linear.gather [hbm4b:s6+s4], $0x4000, $0x38;
	[tilespmem:$0x11880] =	vst v63  }
0x11: {  	s17 =	simm.s32 $0x10040  }
0x12: {  	[tilespmem:s10], [sflag:$0x3] =	stream.linear.gather [hbm4b:s7+s4], $0x4000, $0x38;
	[tilespmem:$0x11880] =	vst v63  }
0x13: {  	[tilespmem:s17+$0xFFFFFFC0] =	vst v0  }
0x14: {  	[tilespmem:s17+$0x30] =	vst v0  }
0x15: {  	[tilespmem:s17+$0x20] =	vst v0  }
0x16: {  	[tilespmem:s17+$0x10] =	vst v0  }
0x17: {  	[tilespmem:s17+$0x0] =	vst v0  }
0x18: {  	[tilespmem:s17+$0xFFFFFFF0] =	vst v0  }
0x19: {  	s18 =	simm.s32 $0x0;
	[tilespmem:s17+$0xFFFFFFE0] =	vst v0  }
.LBB2_2:
0x1a: {  	s18 =	sadd.s32 $0x8, s18;
	[tilespmem:s17+$0xFFFFFFD0] =	vst v0;
	s17 =	sadd.s32 $0x80, s17  }
0x1b: {  	[tilespmem:s17+$0xFFFFFFC0] =	vst v0;
	p0 =	slt.u32 s18, $0x168  }
0x1c: {  	[tilespmem:s17+$0x30] =	vst v0  }
.Ltmp0:
0x1d: {  	[tilespmem:s17+$0x20] =	vst v0;
	(pc) =	sbr.rel @p0 .LBB2_2-.Ltmp0, $4  }
0x1e: {  	[tilespmem:s17+$0x10] =	vst v0  }
0x1f: {  	[tilespmem:s17+$0x0] =	vst v0  }
0x20: {  	[tilespmem:s17+$0xFFFFFFF0] =	vst v0  }
0x21: {  	[tilespmem:s17+$0xFFFFFFE0] =	vst v0  }
0x22: {  	[tilespmem:s17+$0xFFFFFFD0] =	vst v0;
	s17 =	simm.s32 $0x0;
	s18 =	simm.s32 $0x0  }
.LBB2_4:
0x23: {  	s19 =	smov.u32 s18  }
0x24: {  	s18 =	sadd.s32 $0x1, s18;
	p0 =	seq.s32 s19, $0x7  }
0x25: {  	s21 =	sshll.u32 @!p0 s18, $0xE  }
0x26: {  	s20 =	sand.u32 $0x1, s19;
	s21 =	sadd.s32 @!p0 s21, s5  }
0x27: {  	s22 =	sxor.u32 @!p0 $0x1, s20;
	s26 =	simm.s32 @!p0 $0x0;
	s21 =	sshrl.u32 @!p0 s21, $0x3  }
0x28: {  	s23 =	sshll.u32 @!p0 s22, $0xE;
	s24 =	sadd.s32 @!p0 $0x1, s22;
	s25 =	sadd.s32 @!p0 s1, s21  }
0x29: {  	[tilespmem:s23], [sflag:s24] =	stream.linear.gather @!p0 [hbm4b:s25+s26], $0x4000, $0x38;
	[tilespmem:$0x11880] =	vst v63  }
0x2a: {  	s22 =	sadd.s32 @!p0 $0x3, s22;
	s21 =	sadd.s32 @!p0 s3, s21;
	s23 =	sor.u32 @!p0 $0x8000, s23  }
0x2b: {  	[tilespmem:s23], [sflag:s22] =	stream.linear.gather @!p0 [hbm4b:s21+s26], $0x4000, $0x38;
	[tilespmem:$0x11880] =	vst v63  }
0x2c: {  	s26 =	sadd.s32 $0x1, s20  }
0x2d: {  	s28 =	simm.s32 $0x0;
	s29 =	simm.s32 $0x0;
	_ =	swait.ge [sflag:s26], $0x4000  }
0x2e: {  	s30 =	sand.u32 $0x800, s17;
	s19 =	sshll.u32 s19, $0xE;
	[sflag:s26] =	ssyncset.done $0x0  }
0x2f: {  	s20 =	sadd.s32 $0x3, s20;
	s21 =	sand.u32 $0x7E00, s28;
	[sflag:s26] =	ssyncadd.s32 $0xFFFFC000  }
0x30: {  	s22 =	sand.u32 $0x380, s29;
	s21 =	sadd.s32 s19, s21;
	_ =	swait.ge [sflag:s20], $0x4000  }
0x31: {  	s22 =	sor.u32 s30, s22;
	s21 =	sand.u32 $0x7000, s21;
	[sflag:s20] =	ssyncset.done $0x0  }
0x32: {  	s31 =	sor.u32 s21, s22;
	[sflag:s20] =	ssyncadd.s32 $0xFFFFC000  }
0x33: {  	v5 =	vld [tilespmem:s31+$0x460]  }
0x34: {  	v6 =	vld [tilespmem:s31+$0x0]  }
0x35: {  	v7 =	vld [tilespmem:s31+$0x8460]  }
0x36: {  	v8 =	vld [tilespmem:s31+$0x10]  }
0x37: {  	v9 =	vld [tilespmem:s31+$0x20]  }
0x38: {  	v10 =	vld [tilespmem:s31+$0x30]  }
0x39: {  	v11 =	vld [tilespmem:s31+$0x40]  }
0x3a: {  	v12 =	vld [tilespmem:s31+$0x50]  }
0x3b: {  	v13 =	vld [tilespmem:s31+$0x70]  }
0x3c: {  	v14 =	vld [tilespmem:s31+$0x400]  }
0x3d: {  	v15 =	vld [tilespmem:s31+$0x410]  }
0x3e: {  	v16 =	vld [tilespmem:s31+$0x8000]  }
0x3f: {  	v17 =	vld [tilespmem:s31+$0x8470]  }
0x40: {  	v18 =	vld [tilespmem:s31+$0x470]  }
0x41: {  	v19 =	vld [tilespmem:s31+$0x430]  }
0x42: {  	v51 =	vld [tilespmem:s31+$0x440]  }
0x43: {  	v20 =	vld [tilespmem:s31+$0x450]  }
0x44: {  	v21 =	vld [tilespmem:s31+$0x8010]  }
0x45: {  	v22 =	vld [tilespmem:s31+$0x8020];
	v5 =	vmul.u32 $0x13, v5  }
0x46: {  	v23 =	vld [tilespmem:s31+$0x8030]  }
0x47: {  	v24 =	vld [tilespmem:s31+$0x8040];
	v6 =	vmul.u32 $0x13, v6;
	v8 =	vmul.u32 $0x13, v8;
	v5 =	vadd.s32 v7, v5  }
0x48: {  	v25 =	vld [tilespmem:s31+$0x8050];
	v9 =	vmul.u32 $0x13, v9;
	v10 =	vmul.u32 $0x13, v10;
	v5 =	vshll.u32 v5, $0x4  }
0x49: {  	v54 =	vld [tilespmem:s31+$0x8070];
	v11 =	vmul.u32 $0x13, v11;
	v12 =	vmul.u32 $0x13, v12;
	v5 =	vor.u32 v1, v5  }
0x4a: {  	v55 =	vld [tilespmem:s31+$0x8400];
	v18 =	vmul.u32 $0x13, v18;
	v13 =	vmul.u32 $0x13, v13;
	v14 =	vmul.u32 $0x13, v14  }
0x4b: {  	v15 =	vmul.u32 $0x13, v15;
	v52 =	vmul.u32 $0x13, v19;
	v7 =	vld [tilespmem:s31+$0x60];
	v6 =	vadd.s32 v16, v6  }
0x4c: {  	v53 =	vld [tilespmem:s31+$0x8060];
	v8 =	vadd.s32 v21, v8;
	v9 =	vadd.s32 v22, v9;
	v10 =	vadd.s32 v23, v10  }
0x4d: {  	v56 =	vld [tilespmem:s31+$0x8410];
	v11 =	vadd.s32 v24, v11;
	v12 =	vadd.s32 v25, v12;
	v8 =	vshll.u32 v8, $0x4  }
0x4e: {  	v16 =	vmul.u32 $0x13, v51;
	v13 =	vadd.s32 v54, v13;
	v8 =	vor.u32 v1, v8;
	[tilespmem:v5+s11+$0x0] =	vst.idx.add.f32.msk $0xffff, v3  }
0x4f: {  	v62 =	vadd.s32 v55, v14;
	v6 =	vshll.u32 v6, $0x4;
	v9 =	vshll.u32 v9, $0x4;
	v5 =	vld [tilespmem:s31+$0x420]  }
0x50: {  	v57 =	vld [tilespmem:s31+$0x8420];
	v10 =	vshll.u32 v10, $0x4;
	v9 =	vor.u32 v1, v9;
	v7 =	vmul.u32 $0x13, v7  }
0x51: {  	v58 =	vld [tilespmem:s31+$0x8430];
	v11 =	vshll.u32 v11, $0x4;
	v12 =	vshll.u32 v12, $0x4;
	v6 =	vor.u32 v1, v6  }
0x52: {  	v59 =	vld [tilespmem:s31+$0x8440];
	v10 =	vor.u32 v1, v10;
	v11 =	vor.u32 v1, v11;
	v7 =	vadd.s32 v53, v7  }
0x53: {  	v12 =	vor.u32 v1, v12;
	[tilespmem:v8+s11+$0x0] =	vst.idx.add.f32.msk $0xffff, v3;
	v8 =	vadd.s32 v56, v15;
	v7 =	vshll.u32 v7, $0x4  }
0x54: {  	v60 =	vld [tilespmem:s31+$0x8450];
	v61 =	vor.u32 v1, v7;
	v7 =	vshll.u32 v13, $0x4;
	v5 =	vmul.u32 $0x13, v5  }
0x55: {  	[tilespmem:v9+s11+$0x0] =	vst.idx.add.f32.msk $0xffff, v3;
	v9 =	vmul.u32 $0x13, v20;
	v63 =	vor.u32 v1, v7;
	v7 =	vshll.u32 v62, $0x4  }
0x56: {  	[tilespmem:v6+s11+$0x0] =	vst.idx.add.f32.msk $0xffff, v3;
	v13 =	vor.u32 v1, v7;
	v7 =	vshll.u32 v8, $0x4;
	v5 =	vadd.s32 v57, v5  }
0x57: {  	[tilespmem:v10+s11+$0x0] =	vst.idx.add.f32.msk $0xffff, v3;
	v10 =	vadd.s32 v58, v52;
	v7 =	vor.u32 v1, v7;
	v5 =	vshll.u32 v5, $0x4  }
0x58: {  	[tilespmem:v11+s11+$0x0] =	vst.idx.add.f32.msk $0xffff, v3;
	v8 =	vor.u32 v1, v5;
	v5 =	vshll.u32 v10, $0x4;
	v10 =	vadd.s32 v59, v16  }
0x59: {  	[tilespmem:v12+s11+$0x0] =	vst.idx.add.f32.msk $0xffff, v3;
	v11 =	vadd.s32 v60, v9;
	v9 =	vor.u32 v1, v5;
	v5 =	vshll.u32 v10, $0x4  }
0x5a: {  	v6 =	vadd.s32 v17, v18;
	[tilespmem:v61+s11+$0x0] =	vst.idx.add.f32.msk $0xffff, v3  }
0x5b: {  	v6 =	vshll.u32 v6, $0x4;
	v11 =	vshll.u32 v11, $0x4;
	[tilespmem:v63+s11+$0x0] =	vst.idx.add.f32.msk $0xffff, v3;
	v10 =	vor.u32 v1, v5  }
0x5c: {  	s21 =	simm.s32 $0x0;
	s20 =	simm.s32 $0x0;
	v6 =	vor.u32 v1, v6;
	v11 =	vor.u32 v1, v11;
	[tilespmem:v13+s11+$0x0] =	vst.idx.add.f32.msk $0xffff, v3;
	v5 =	vmov v2  }
.LBB2_5:
0x5d: {  	s20 =	sadd.s32 $0x10, s20;
	[tilespmem:v7+s11+$0x0] =	vst.idx.add.f32.msk $0xffff, v3  }
0x5e: {  	s22 =	sshll.u32 s20, $0x4;
	p0 =	slt.u32 s20, $0x3F0;
	[tilespmem:v8+s11+$0x0] =	vst.idx.add.f32.msk $0xffff, v3  }
0x5f: {  	s21 =	sadd.s32 $0x800, s21;
	s23 =	sshll.u32 s20, $0x2;
	s22 =	sand.u32 $0x7E00, s22;
	[tilespmem:v9+s11+$0x0] =	vst.idx.add.f32.msk $0xffff, v3  }
0x60: {  	s24 =	sand.u32 $0x800, s21;
	s23 =	sand.u32 $0x380, s23;
	s22 =	sadd.s32 s19, s22;
	[tilespmem:v10+s11+$0x0] =	vst.idx.add.f32.msk $0xffff, v3  }
0x61: {  	s23 =	sor.u32 s24, s23;
	s22 =	sand.u32 $0x7000, s22;
	[tilespmem:v11+s11+$0x0] =	vst.idx.add.f32.msk $0xffff, v3  }
0x62: {  	s22 =	sor.u32 s22, s23;
	[tilespmem:v5+s11+$0x0] =	vst.idx.add.f32.msk $0xffff, v3;
	v5 =	vmov v6  }
0x63: {  	v6 =	vld [tilespmem:s22+$0x460]  }
0x64: {  	v7 =	vld [tilespmem:s22+$0x0]  }
0x65: {  	v8 =	vld [tilespmem:s22+$0x8460]  }
0x66: {  	v9 =	vld [tilespmem:s22+$0x10]  }
0x67: {  	v10 =	vld [tilespmem:s22+$0x20]  }
0x68: {  	v11 =	vld [tilespmem:s22+$0x30];
	v6 =	vmul.u32 $0x13, v6  }
0x69: {  	v7 =	vmul.u32 $0x13, v7;
	v12 =	vld [tilespmem:s22+$0x40]  }
0x6a: {  	v13 =	vld [tilespmem:s22+$0x50];
	v6 =	vadd.s32 v8, v6  }
0x6b: {  	v8 =	vmul.u32 $0x13, v9;
	v9 =	vld [tilespmem:s22+$0x60];
	v6 =	vshll.u32 v6, $0x4  }
0x6c: {  	v10 =	vmul.u32 $0x13, v10;
	v14 =	vld [tilespmem:s22+$0x70];
	v6 =	vor.u32 v1, v6  }
0x6d: {  	v11 =	vmul.u32 $0x13, v11;
	v15 =	vld [tilespmem:s22+$0x400]  }
0x6e: {  	v12 =	vmul.u32 $0x13, v12;
	v16 =	vld [tilespmem:s22+$0x410]  }
0x6f: {  	v13 =	vmul.u32 $0x13, v13;
	v17 =	vld [tilespmem:s22+$0x8470]  }
0x70: {  	v9 =	vmul.u32 $0x13, v9;
	v18 =	vld [tilespmem:s22+$0x470]  }
0x71: {  	v14 =	vmul.u32 $0x13, v14;
	[tilespmem:v6+s11+$0x0] =	vst.idx.add.f32.msk $0xffff, v3  }
0x72: {  	v15 =	vmul.u32 $0x13, v15;
	v6 =	vld [tilespmem:s22+$0x420]  }
0x73: {  	v16 =	vmul.u32 $0x13, v16;
	v19 =	vld [tilespmem:s22+$0x430]  }
0x74: {  	v20 =	vld [tilespmem:s22+$0x440]  }
0x75: {  	v21 =	vld [tilespmem:s22+$0x450];
	v18 =	vmul.u32 $0x13, v18  }
0x76: {  	v22 =	vld [tilespmem:s22+$0x8000]  }
0x77: {  	v23 =	vld [tilespmem:s22+$0x8010];
	v24 =	vmul.u32 $0x13, v6;
	v6 =	vadd.s32 v17, v18  }
0x78: {  	v17 =	vld [tilespmem:s22+$0x8020];
	v18 =	vmul.u32 $0x13, v19;
	v6 =	vshll.u32 v6, $0x4  }
0x79: {  	v19 =	vld [tilespmem:s22+$0x8030];
	v20 =	vmul.u32 $0x13, v20;
	v6 =	vor.u32 v1, v6  }
0x7a: {  	v25 =	vld [tilespmem:s22+$0x8040];
	v21 =	vmul.u32 $0x13, v21  }
0x7b: {  	v7 =	vadd.s32 v22, v7;
	v22 =	vld [tilespmem:s22+$0x8050]  }
0x7c: {  	v7 =	vshll.u32 v7, $0x4;
	v8 =	vadd.s32 v23, v8;
	v23 =	vld [tilespmem:s22+$0x8060]  }
0x7d: {  	v7 =	vor.u32 v1, v7;
	v8 =	vshll.u32 v8, $0x4;
	v10 =	vadd.s32 v17, v10;
	v17 =	vld [tilespmem:s22+$0x8070]  }
0x7e: {  	v8 =	vor.u32 v1, v8;
	v10 =	vshll.u32 v10, $0x4;
	v11 =	vadd.s32 v19, v11;
	v19 =	vld [tilespmem:s22+$0x8400]  }
0x7f: {  	v10 =	vor.u32 v1, v10;
	v11 =	vshll.u32 v11, $0x4;
	v12 =	vadd.s32 v25, v12;
	v25 =	vld [tilespmem:s22+$0x8410]  }
0x80: {  	v11 =	vor.u32 v1, v11;
	v12 =	vshll.u32 v12, $0x4;
	v13 =	vadd.s32 v22, v13;
	v22 =	vld [tilespmem:s22+$0x8420]  }
0x81: {  	v12 =	vor.u32 v1, v12;
	v13 =	vshll.u32 v13, $0x4;
	v9 =	vadd.s32 v23, v9;
	v23 =	vld [tilespmem:s22+$0x8430]  }
0x82: {  	v13 =	vor.u32 v1, v13;
	v9 =	vshll.u32 v9, $0x4;
	v14 =	vadd.s32 v17, v14;
	v17 =	vld [tilespmem:s22+$0x8440]  }
0x83: {  	v26 =	vor.u32 v1, v9;
	v9 =	vshll.u32 v14, $0x4;
	v14 =	vadd.s32 v19, v15;
	v15 =	vld [tilespmem:s22+$0x8450]  }
0x84: {  	[tilespmem:v7+s11+$0x0] =	vst.idx.add.f32.msk $0xffff, v3;
	v19 =	vor.u32 v1, v9;
	v7 =	vshll.u32 v14, $0x4;
	v9 =	vadd.s32 v25, v16  }
0x85: {  	[tilespmem:v8+s11+$0x0] =	vst.idx.add.f32.msk $0xffff, v3;
	v14 =	vor.u32 v1, v7;
	v7 =	vshll.u32 v9, $0x4;
	v8 =	vadd.s32 v22, v24  }
0x86: {  	[tilespmem:v10+s11+$0x0] =	vst.idx.add.f32.msk $0xffff, v3;
	v7 =	vor.u32 v1, v7;
	v8 =	vshll.u32 v8, $0x4;
	v9 =	vadd.s32 v23, v18  }
0x87: {  	[tilespmem:v11+s11+$0x0] =	vst.idx.add.f32.msk $0xffff, v3;
	v8 =	vor.u32 v1, v8;
	v9 =	vshll.u32 v9, $0x4;
	v10 =	vadd.s32 v17, v20  }
.Ltmp1:
0x88: {  	[tilespmem:v12+s11+$0x0] =	vst.idx.add.f32.msk $0xffff, v3;
	v9 =	vor.u32 v1, v9;
	v10 =	vshll.u32 v10, $0x4;
	v11 =	vadd.s32 v15, v21;
	(pc) =	sbr.rel @p0 .LBB2_5-.Ltmp1, $4  }
0x89: {  	[tilespmem:v13+s11+$0x0] =	vst.idx.add.f32.msk $0xffff, v3;
	v10 =	vor.u32 v1, v10;
	v11 =	vshll.u32 v11, $0x4  }
0x8a: {  	[tilespmem:v26+s11+$0x0] =	vst.idx.add.f32.msk $0xffff, v3;
	v11 =	vor.u32 v1, v11  }
0x8b: {  	[tilespmem:v19+s11+$0x0] =	vst.idx.add.f32.msk $0xffff, v3  }
0x8c: {  	[tilespmem:v14+s11+$0x0] =	vst.idx.add.f32.msk $0xffff, v3  }
0x8d: {  	_ =	sdelay $0x3  }
0x8e: {  	[tilespmem:v7+s11+$0x0] =	vst.idx.add.f32.msk $0xffff, v3  }
0x8f: {  	[tilespmem:v8+s11+$0x0] =	vst.idx.add.f32.msk $0xffff, v3;
	p0 =	sne.s32 s18, $0x8  }
.Ltmp2:
0x90: {  	[tilespmem:v9+s11+$0x0] =	vst.idx.add.f32.msk $0xffff, v3;
	(pc) =	sbr.rel @p0 .LBB2_4-.Ltmp2, $4  }
0x91: {  	[tilespmem:v10+s11+$0x0] =	vst.idx.add.f32.msk $0xffff, v3  }
0x92: {  	[tilespmem:v11+s11+$0x0] =	vst.idx.add.f32.msk $0xffff, v3  }
0x93: {  	[tilespmem:v5+s11+$0x0] =	vst.idx.add.f32.msk $0xffff, v3  }
0x94: {  	[tilespmem:v6+s11+$0x0] =	vst.idx.add.f32.msk $0xffff, v3  }
0x95: {  	s19 =	simm.s32 $0x10040  }
0x96: {  	v5 =	vld [tilespmem:s19+$0xFFFFFFC0]  }
0x97: {  	v6 =	vld [tilespmem:s19+$0x30];
	_ =	sdelay $0x3  }
0x98: {  	(xrf2) =	vadd.scan.msk.f32 $0xffff, v5  }
0x99: {  	v7 =	vld [tilespmem:s19+$0x0];
	(xrf2) =	vadd.scan.msk.f32 $0xffff, v6;
	_ =	sdelay $0x1  }
0x9a: {  	v5 =	vld [tilespmem:s19+$0xFFFFFFF0];
	_ =	sdelay $0x2  }
0x9b: {  	(xrf2) =	vadd.scan.msk.f32 $0xffff, v7;
	v7 =	vld [tilespmem:s19+$0x10];
	_ =	sdelay $0x1  }
0x9c: {  	(xrf2) =	vadd.scan.msk.f32 $0xffff, v5  }
0x9d: {  	v8 =	vld [tilespmem:s19+$0x20]  }
0x9e: {  	v9, _, _ =	vpop (xrf2)  }
0x9f: {  	v5, _, _ =	vpop (xrf2);
	(xrf2) =	vadd.scan.msk.f32 $0xffff, v7  }
0xa0: {  	v6 =	vld [tilespmem:s19+$0xFFFFFFE0];
	_ =	sdelay $0x1  }
0xa1: {  	(xrf2) =	vadd.scan.msk.f32 $0xffff, v8  }
0xa2: {  	[tilespmem:s19+$0x30] =	vst v5;
	v5 =	vld [tilespmem:s19+$0xFFFFFFD0]  }
0xa3: {  	s20 =	simm.s32 $0x0;
	s17 =	simm.s32 $0x11720;
	s18 =	simm.s32 $0x10040;
	[tilespmem:s19+$0xFFFFFFC0] =	vst v9;
	v7, _, _ =	vpop (xrf2)  }
.LBB2_8:
0xa4: {  	s20 =	sadd.s32 $0x8, s20;
	s19 =	sadd.s32 $0x80, s19;
	(xrf2) =	vadd.scan.msk.f32 $0xffff, v6  }
0xa5: {  	v6 =	vld [tilespmem:s19+$0xFFFFFFC0];
	p0 =	slt.u32 s20, $0x168;
	v8, _, _ =	vpop (xrf2)  }
0xa6: {  	v9 =	vld [tilespmem:s19+$0x30]  }
0xa7: {  	v10 =	vld [tilespmem:s19+$0x20];
	(xrf2) =	vadd.scan.msk.f32 $0xffff, v5  }
0xa8: {  	v11 =	vld [tilespmem:s19+$0x10];
	v12, _, _ =	vpop (xrf2)  }
0xa9: {  	v13 =	vld [tilespmem:s19+$0x0]  }
0xaa: {  	v14 =	vld [tilespmem:s19+$0xFFFFFFF0];
	(xrf2) =	vadd.scan.msk.f32 $0xffff, v6  }
0xab: {  	v6 =	vld [tilespmem:s19+$0xFFFFFFE0];
	[tilespmem:s18+$0x0] =	vst v7;
	v7, _, _ =	vpop (xrf2)  }
0xac: {  	v5 =	vld [tilespmem:s19+$0xFFFFFFD0];
	[tilespmem:s18+$0xFFFFFFF0] =	vst v8  }
0xad: {  	(xrf2) =	vadd.scan.msk.f32 $0xffff, v9;
	[tilespmem:s18+$0x10] =	vst v12  }
0xae: {  	[tilespmem:s18+$0x20] =	vst v7;
	v7, _, _ =	vpop (xrf2);
	_ =	sdelay $0x1  }
0xaf: {  	(xrf2) =	vadd.scan.msk.f32 $0xffff, v13  }
0xb0: {  	[tilespmem:s18+$0xFFFFFFE0] =	vst v7;
	v7, _, _ =	vpop (xrf2)  }
0xb1: {  	[tilespmem:s18+$0xFFFFFFD0] =	vst v7;
	s18 =	smov.u32 s19  }
0xb2: {  	(xrf2) =	vadd.scan.msk.f32 $0xffff, v14  }
0xb3: {  	v7, _, _ =	vpop (xrf2);
	_ =	sdelay $0x1  }
0xb4: {  	(xrf2) =	vadd.scan.msk.f32 $0xffff, v11  }
.Ltmp3:
0xb5: {  	v8, _, _ =	vpop (xrf2);
	(pc) =	sbr.rel @p0 .LBB2_8-.Ltmp3, $4  }
0xb6: {  	[tilespmem:s19+$0x30] =	vst v8  }
0xb7: {  	[tilespmem:s19+$0xFFFFFFC0] =	vst v7;
	(xrf2) =	vadd.scan.msk.f32 $0xffff, v10  }
0xb8: {  	v7, _, _ =	vpop (xrf2)  }
0xb9: {  	s21 =	simm.s32 $0x0  }
0xba: {  	(xrf2) =	vadd.scan.msk.f32 $0xffff, v6  }
0xbb: {  	(xrf2) =	vadd.scan.msk.f32 $0xffff, v5;
	_ =	sdelay $0x2  }
0xbc: {  	s19 =	simm.s32 $0x30  }
0xbd: {  	s20 =	simm.s32 $0x10;
	v6 =	vmov s19  }
0xbe: {  	s22 =	simm.s32 $0x20;
	v5 =	vmov s21;
	v8 =	vmov s20;
	v6 =	vshll.u32 v6, $0x4  }
0xbf: {  	[tilespmem:s18+$0x0] =	vst v7;
	v9, _, _ =	vpop (xrf2);
	v7 =	vmov s22;
	v8 =	vshll.u32 v8, $0x4;
	v6 =	vor.u32 v4, v6  }
0xc0: {  	[tilespmem:s18+$0xFFFFFFF0] =	vst v9;
	v7 =	vshll.u32 v7, $0x4;
	v8 =	vor.u32 v4, v8;
	v10, _, _ =	vpop (xrf2);
	v6 =	vor.u32 $0xF, v6  }
0xc1: {  	v5 =	vshll.u32 v5, $0x4;
	v7 =	vor.u32 v4, v7;
	v8 =	vor.u32 $0xF, v8;
	[tilespmem:s18+$0x10] =	vst v10;
	v9, _, _ =	vpop (xrf2)  }
0xc2: {  	s23 =	simm.s32 $0x70;
	v5 =	vor.u32 v4, v5;
	v7 =	vor.u32 $0xF, v7;
	[tilespmem:s18+$0x20] =	vst v9;
	v9, _, _ =	vpop (xrf2)  }
0xc3: {  	s24 =	simm.s32 $0x40;
	s25 =	simm.s32 $0x50;
	v5 =	vor.u32 $0xF, v5;
	v10 =	vmov s23;
	[tilespmem:s18+$0xFFFFFFE0] =	vst v9;
	v9, _, _ =	vpop (xrf2)  }
0xc4: {  	s26 =	simm.s32 $0x60;
	v11 =	vmov s24;
	v12 =	vmov s25;
	v10 =	vshll.u32 v10, $0x4;
	[tilespmem:s18+$0xFFFFFFD0] =	vst v9  }
0xc5: {  	v12 =	vshll.u32 v12, $0x4;
	v10 =	vor.u32 v4, v10;
	v9 =	vmov s26;
	v6 =	vld.idx.msk [tilespmem:v6+s11+$0x0], $0xffff  }
0xc6: {  	v12 =	vor.u32 v4, v12;
	v10 =	vor.u32 $0xF, v10;
	v9 =	vshll.u32 v9, $0x4;
	v8 =	vld.idx.msk [tilespmem:v8+s11+$0x0], $0xffff  }
0xc7: {  	s28 =	simm.s32 $0x80;
	v11 =	vshll.u32 v11, $0x4;
	v12 =	vor.u32 $0xF, v12;
	v7 =	vld.idx.msk [tilespmem:v7+s11+$0x0], $0xffff;
	v9 =	vor.u32 v4, v9  }
0xc8: {  	s29 =	simm.s32 $0xB0;
	v11 =	vor.u32 v4, v11;
	v13 =	vld.idx.msk [tilespmem:v5+s11+$0x0], $0xffff;
	v5 =	vmov s28;
	v9 =	vor.u32 $0xF, v9  }
0xc9: {  	s30 =	simm.s32 $0x90;
	v14 =	vor.u32 $0xF, v11;
	v15 =	vshll.u32 v5, $0x4;
	v5 =	vmov s29  }
0xca: {  	s31 =	simm.s32 $0xA0;
	v11 =	vmov s30;
	v16 =	vshll.u32 v5, $0x4  }
0xcb: {  	v5 =	vld.idx.msk [tilespmem:v10+s11+$0x0], $0xffff;
	v10 =	vshll.u32 v11, $0x4;
	v11 =	vor.u32 v4, v16;
	[tilespmem:s17+$0x10] =	vst v6;
	v6 =	vmov s31  }
0xcc: {  	v10 =	vor.u32 v4, v10;
	v11 =	vor.u32 $0xF, v11;
	[tilespmem:s17+$0xFFFFFFF0] =	vst v8;
	v8 =	vshll.u32 v6, $0x4;
	v6 =	vld.idx.msk [tilespmem:v12+s11+$0x0], $0xffff  }
0xcd: {  	v15 =	vor.u32 v4, v15;
	[tilespmem:s17+$0x0] =	vst v7;
	v12 =	vor.u32 $0xF, v10;
	v8 =	vor.u32 v4, v8;
	v7 =	vld.idx.msk [tilespmem:v9+s11+$0x0], $0xffff  }
0xce: {  	s19 =	simm.s32 $0xC0;
	s18 =	simm.s32 $0x8;
	[tilespmem:s17+$0xFFFFFFE0] =	vst v13;
	v9 =	vld.idx.msk [tilespmem:v14+s11+$0x0], $0xffff;
	v10 =	vor.u32 $0xF, v8;
	v8 =	vor.u32 $0xF, v15  }
.LBB2_10:
0xcf: {  	v13 =	vmov s19;
	s20 =	sadd.s32 $0x30, s19;
	s18 =	sadd.s32 $0x4, s18;
	s17 =	sadd.s32 $0x40, s17  }
0xd0: {  	s21 =	sadd.s32 $0x10, s19;
	s22 =	sadd.s32 $0x20, s19;
	v13 =	vshll.u32 v13, $0x4;
	v14 =	vmov s20;
	p0 =	slt.u32 s18, $0x10;
	[tilespmem:s17+$0x10] =	vst v5  }
.Ltmp4:
0xd1: {  	v15 =	vmov s21;
	v16 =	vmov s22;
	v14 =	vshll.u32 v14, $0x4;
	v5 =	vld.idx.msk [tilespmem:v11+s11+$0x0], $0xffff;
	[tilespmem:s17+$0xFFFFFFF0] =	vst v6;
	(pc) =	sbr.rel @p0 .LBB2_10-.Ltmp4, $4  }
0xd2: {  	v11 =	vshll.u32 v15, $0x4;
	v15 =	vshll.u32 v16, $0x4;
	v14 =	vor.u32 v4, v14;
	v6 =	vld.idx.msk [tilespmem:v12+s11+$0x0], $0xffff;
	[tilespmem:s17+$0x0] =	vst v7  }
0xd3: {  	v12 =	vor.u32 v4, v11;
	v15 =	vor.u32 v4, v15;
	v11 =	vor.u32 $0xF, v14;
	v7 =	vld.idx.msk [tilespmem:v10+s11+$0x0], $0xffff;
	[tilespmem:s17+$0xFFFFFFE0] =	vst v9  }
0xd4: {  	v13 =	vor.u32 v4, v13;
	v12 =	vor.u32 $0xF, v12;
	v10 =	vor.u32 $0xF, v15;
	v9 =	vld.idx.msk [tilespmem:v8+s11+$0x0], $0xffff  }
0xd5: {  	s19 =	sadd.s32 $0x40, s19;
	v8 =	vor.u32 $0xF, v13  }
0xd6: {  	_ =	sdelay $0x3  }
0xd7: {  	s17 =	sadd.s32 $0x40, s17;
	v11 =	vld.idx.msk [tilespmem:v11+s11+$0x0], $0xffff  }
0xd8: {  	[tilespmem:s17+$0x10] =	vst v5;
	v5 =	vld.idx.msk [tilespmem:v12+s11+$0x0], $0xffff  }
0xd9: {  	[tilespmem:s17+$0xFFFFFFF0] =	vst v6;
	v6 =	vld.idx.msk [tilespmem:v10+s11+$0x0], $0xffff  }
0xda: {  	[tilespmem:s17+$0x0] =	vst v7;
	v7 =	vld.idx.msk [tilespmem:v8+s11+$0x0], $0xffff  }
0xdb: {  	s19 =	sadd.s32 $0x40, s17;
	[tilespmem:s17+$0xFFFFFFE0] =	vst v9  }
0xdc: {  	[tilespmem:s19+$0x10] =	vst v11  }
0xdd: {  	[tilespmem:s19+$0xFFFFFFF0] =	vst v5  }
0xde: {  	[tilespmem:s19+$0x0] =	vst v6  }
0xdf: {  	s18 =	simm.s32 $0x11840;
	s17 =	simm.s32 $0x140;
	[tilespmem:s19+$0xFFFFFFE0] =	vst v7  }
.LBB2_12:
0xe0: {  	v5 =	vmov s17  }
0xe1: {  	v5 =	vshll.u32 v5, $0x4  }
0xe2: {  	v5 =	vor.u32 v4, v5  }
0xe3: {  	v5 =	vor.u32 $0xF, v5;
	_ =	sdelay $0x4  }
0xe4: {  	p0 =	sne.s32 s17, $0x160;
	v5 =	vld.idx.msk [tilespmem:v5+s11+$0x0], $0xffff  }
.Ltmp5:
0xe5: {  	_ = 	snop;
	(pc) =	sbr.rel @p0 .LBB2_12-.Ltmp5, $2  }
0xe6: {  	_ =	sdelay $0x2  }
0xe7: {  	s17 =	sadd.s32 $0x10, s17;
	[tilespmem:s18+$0x0] =	vst v5;
	s18 =	sadd.s32 $0x10, s18  }
0xe8: {  	s16 =	sadd.s32 $0x1, s16  }
0xe9: {  	p0 =	sne.s32 s16, s9  }
.Ltmp6:
0xea: {  	_ = 	snop;
	(pc) =	sbr.rel @p0 .LBB2_1-.Ltmp6, $4  }
0xeb: {  	[hbm4b:s8+s12] =	stream.strided.scatter [tilespmem:s14], [sflag:$0x5], $0x180, s13, s12, $0x38;
	[tilespmem:$0x11880] =	vst v63  }
0xec: {  	_ =	swait.ge [sflag:s15], $0x180  }
0xed: {  	[sflag:s15] =	ssyncset.done $0x0  }
0xee: {  	[sflag:s15] =	ssyncadd.s32 $0xFFFFFE80  }
0xef: {  	_ =	sfence.sel $0x180000  }
0xf0: {  	[bflag:$0x0] =	sbarrier.arrive $0xFFFF  }
0xf1: {  	p0 =	sne.s32 s0, $0x0;
	_ =	strace $0x90000047  }
0xf2: {  	s0 =	sadd.s32 @!p0 $0x100000, s2;
	[bflag:$0x2] =	sbarrier.arrive $0xFFFF  }
0xf3: {  	[sflag:s0] =	ssyncadd.tile.s32 @!p0 $0x1;
	_ =	shalt  }
.Lfunc_end2:
_tile_overlayer_lowered:
.L_overlay_start_2:
0xf4: {  	(tag) =	ssettag $0x2  }
0xf5: {  	s0 =	rddreg [dreg:$0x0];
	s2 =	stileid.u32  }
0xf6: {  	s1 =	rddreg [dreg:$0x1];
	p0 =	sne.s32 s2, $0x0  }
0xf7: {  	s3 =	rddreg [dreg:$0x2];
	[bflag:$0x3] =	sbarrier.arrive $0xFFFF;
	s2 =	simm.s32 @!p0 $0x1C05  }
0xf8: {  	[timem:s3], [sflag:s2] =	dma.local @!p0 [hbm:s0], s1  }
0xf9: {  	s0 =	simm.s32 @!p0 $0x5  }
0xfa: {  	_ =	swait.ge @!p0 [sflag:s0], s1  }
0xfb: {  	s1 =	ssub.s32 @!p0 $0x0, s1;
	[sflag:s0] =	ssyncset.done @!p0 $0x0  }
0xfc: {  	[sflag:s0] =	ssyncadd.s32 @!p0 s1  }
0xfd: {  	[bflag:$0x3] =	sbarrier.arrive $0xFFFF  }
0xfe: {  	_ =	shalt  }

</sc_bundles>
